<compile_context>
chip_gen: v7x
topology: tpu7x:2x2x1
jax: 0.10.2.dev20260603
libtpu: 0.0.44.dev20260713+nightly
codegen_flags: <defaults>
</compile_context>

<pallas_src>
import functools

import jax
import jax.numpy as jnp
from jax import lax
from jax.experimental import pallas as pl
from jax.experimental.pallas import tpu as pltpu
from jax.experimental.pallas import tpu_sc as plsc

D = 64
BLK = 128


def _build(B, K, NC, NS):
    NW = NC * NS
    units = K * (B // BLK)
    U = units // NW
    assert U * NW == units and U % 2 == 0
    n_c = B // BLK

    mesh = plsc.VectorSubcoreMesh(core_axis_name="c", subcore_axis_name="s")

    @functools.partial(
        pl.kernel,
        out_type=jax.ShapeDtypeStruct((K, D // 8, n_c, 8, BLK), jnp.float32),
        mesh=mesh,
        compiler_params=pltpu.CompilerParams(use_tc_tiling_on_sc=False,
                                             needs_layout_passes=False),
        scratch_types=[
            pltpu.VMEM((U, 2 * BLK), jnp.int32),
            pltpu.VMEM((2 * BLK, 32), jnp.float32),
            pltpu.VMEM((2 * BLK, 32), jnp.float32),
            pltpu.VMEM((8, 8, BLK), jnp.float32),
            pltpu.VMEM((8, 8, BLK), jnp.float32),
            pltpu.SemaphoreType.DMA,
            pltpu.SemaphoreType.DMA,
            pltpu.SemaphoreType.DMA,
            pltpu.SemaphoreType.DMA,
        ],
    )
    def gather_kernel(table_hbm, idx_hbm, out_hbm, idx_v, g0, g1, t0, t1,
                      gs0, gs1, os0, os1):
        gbuf = (g0, g1)
        tbuf = (t0, t1)
        gsem = (gs0, gs1)
        osem = (os0, os1)

        wid = lax.axis_index("s") * NC + lax.axis_index("c")
        u0 = wid * U

        pltpu.sync_copy(idx_hbm.at[pl.ds(u0, U)], idx_v)

        def fire_gather(b, u):
            pltpu.make_async_copy(
                table_hbm.at[idx_v.at[u]], gbuf[b], gsem[b]).start()

        def wait_gather(b):
            pltpu.make_async_copy(
                table_hbm.at[idx_v.at[0]], gbuf[b], gsem[b]).wait()

        def fire_flush(b, u):
            g = u0 + u
            k = g // n_c
            c = g % n_c
            pltpu.make_async_copy(
                tbuf[b], out_hbm.at[k, pl.ds(0, 8), c], osem[b]).start()

        def wait_flush(b):
            pltpu.make_async_copy(
                tbuf[b], out_hbm.at[0, pl.ds(0, 8), 0], osem[b]).wait()

        iota2 = lax.iota(jnp.int32, 16) * 2

        def transpose(b):
            g = gbuf[b]
            t = tbuf[b]

            @plsc.parallel_loop(0, 512, step=1, unroll=16)
            def _(i):
                q = lax.shift_right_logical(i, 6)
                d = i & 63
                rowv = iota2 + ((q << 5) + lax.shift_right_logical(d, 5))
                colv = jnp.full((16,), 0, jnp.int32) + (d & 31)
                vals = plsc.load_gather(g, [rowv, colv])
                t[lax.shift_right_logical(d, 3), d & 7,
                  pl.ds(q * 16, 16)] = vals

        fire_gather(0, 0)

        def body(i, carry):
            for b in (0, 1):
                u = 2 * i + b

                @pl.when(u + 1 < U)
                def _():
                    fire_gather(1 - b, u + 1)

                wait_gather(b)

                @pl.when(u >= 2)
                def _():
                    wait_flush(b)

                transpose(b)
                fire_flush(b, u)
            return carry

        lax.fori_loop(0, U // 2, body, 0)
        wait_flush(0)
        wait_flush(1)

    return gather_kernel


def kernel(input, indices):
    B, K = indices.shape
    info = plsc.get_sparse_core_info()
    NC, NS = info.num_cores, info.num_subcores

    table2 = input.reshape(2 * input.shape[0], 32)
    idxT = indices.T.astype(jnp.int32)
    d2 = (idxT.reshape(K, B // BLK, BLK, 1) * 2
          + jnp.arange(2, dtype=jnp.int32)).reshape(K * (B // BLK), 2 * BLK)

    out5 = _build(B, K, NC, NS)(table2, d2)
    return out5.transpose(2, 4, 0, 1, 3).reshape(B, K, D)

# --- scband reference (transcript-rebuilt; emitter-appended) ---
"""Pipeline reference for scband-index-module-13700945674716 (READ-ONLY COPY).

The authoritative reference and input builder live on the scoring server;
editing this copy changes nothing except your own understanding.
"""

import jax, jax.numpy as jnp
import numpy as np


def setup_inputs(seed: int = 0) -> dict:
    key = jax.random.key(seed)
    k1, k2 = jax.random.split(key)
    input = jax.random.normal(k1, (1000000, 64), dtype=jnp.float32)
    indices = jax.random.randint(k2, (16384, 50), 0, 1000000, dtype=jnp.int64 if jax.config.jax_enable_x64 else jnp.int32)
    return {"input": input, "indices": indices}


def reference(input, indices):
    # aten.index.Tensor(input, [indices]) == input[indices]: advanced indexing / gather along axis 0
    return jnp.take(input, indices, axis=0)

if __name__ == "__main__":
    import jax
    _d = setup_inputs()
    print(jax.jit(kernel)(*tuple(_d.values())))

</pallas_src>

<mosaic_0001>
#map = affine_map<(d0, d1) -> (0, 0)>
#map1 = affine_map<(d0, d1) -> (0, 0, 0, 0, 0)>
module attributes {stable_mosaic.version = 14 : i64} {
  func.func @gather_kernel(%arg0: i32, %arg1: i32, %arg2: memref<2000000x32xf32, #tpu.memory_space<hbm>>, %arg3: memref<6400x256xi32, #tpu.memory_space<hbm>>, %arg4: memref<50x8x128x8x128xf32, #tpu.memory_space<hbm>>, %arg5: memref<200x256xi32, #tpu.memory_space<vmem>>, %arg6: memref<256x32xf32, #tpu.memory_space<vmem>>, %arg7: memref<256x32xf32, #tpu.memory_space<vmem>>, %arg8: memref<8x8x128xf32, #tpu.memory_space<vmem>>, %arg9: memref<8x8x128xf32, #tpu.memory_space<vmem>>, %arg10: memref<!tpu.dma_semaphore, #tpu.memory_space<semaphore_mem>>, %arg11: memref<!tpu.dma_semaphore, #tpu.memory_space<semaphore_mem>>, %arg12: memref<!tpu.dma_semaphore, #tpu.memory_space<semaphore_mem>>, %arg13: memref<!tpu.dma_semaphore, #tpu.memory_space<semaphore_mem>>) attributes {dimension_semantics = [#tpu.dimension_semantics<core_parallel>, #tpu.dimension_semantics<subcore_parallel>], iteration_bounds = array<i64: 2, 16>, scalar_prefetch = 0 : i64, scratch_operands = 9 : i64, tpu.core_type = #tpu.core_type<sc_vector_subcore>, window_params = [{transform_indices = #map}, {transform_indices = #map}, {transform_indices = #map1}]} {
    %mul3A = arith.constant 2 : i32
    %mul3A_0 = arith.muli %arg1, %mul3A : i32
    %add3A = arith.addi %mul3A_0, %arg0 : i32
    %mul3A_1 = arith.constant 200 : i32
    %mul3A_2 = arith.muli %add3A, %mul3A_1 : i32
    "tpu.region"() ({
      %run_scoped3A = tpu.sem_alloc : memref<!tpu.dma_semaphore, #tpu.memory_space<semaphore_mem>>
      %dma_start3A_40 = arith.constant 0 : i32
      %dma_start3A_41 = tpu.memref_slice %arg3[%mul3A_2, %dma_start3A_40] : memref<6400x256xi32, #tpu.memory_space<hbm>> -> memref<200x256xi32, #tpu.memory_space<hbm>>
      %dma_start3A_42 = arith.constant 0 : i32
      %dma_start3A_43 = tpu.memref_slice %arg3[%mul3A_2, %dma_start3A_42] : memref<6400x256xi32, #tpu.memory_space<hbm>> -> memref<200x256xi32, #tpu.memory_space<hbm>>
      tpu.enqueue_dma source(%dma_start3A_43 : memref<200x256xi32, #tpu.memory_space<hbm>>) target(%arg5 : memref<200x256xi32, #tpu.memory_space<vmem>>) target_semaphore(%run_scoped3A : memref<!tpu.dma_semaphore, #tpu.memory_space<semaphore_mem>>)
      %dma_wait3A_44 = arith.constant 0 : i32
      %dma_wait3A_45 = tpu.memref_slice %arg3[%mul3A_2, %dma_wait3A_44] : memref<6400x256xi32, #tpu.memory_space<hbm>> -> memref<200x256xi32, #tpu.memory_space<hbm>>
      %dma_wait3A_46 = arith.constant 0 : i32
      %dma_wait3A_47 = tpu.memref_slice %arg3[%mul3A_2, %dma_wait3A_46] : memref<6400x256xi32, #tpu.memory_space<hbm>> -> memref<200x256xi32, #tpu.memory_space<hbm>>
      tpu.wait_dma2 semaphore(%run_scoped3A : memref<!tpu.dma_semaphore, #tpu.memory_space<semaphore_mem>>) src(%dma_wait3A_47 : memref<200x256xi32, #tpu.memory_space<hbm>>) dst(%arg5 : memref<200x256xi32, #tpu.memory_space<vmem>>)
      tpu.yield
    }) : () -> ()
    %iota3A = tpu.iota {dimensions = array<i32: 0>} : vector<16xi32>
    %mul3A_3 = arith.constant 2 : i32
    %mul3A_4 = vector.broadcast %mul3A_3 : i32 to vector<16xi32>
    %mul3A_5 = arith.muli %iota3A, %mul3A_4 : vector<16xi32>
    %dma_start3A = arith.constant 0 : i32
    %dma_start3A_6 = arith.constant 0 : i32
    %dma_start3A_7 = tpu.memref_slice %arg5[%dma_start3A, %dma_start3A_6] : memref<200x256xi32, #tpu.memory_space<vmem>> -> memref<1x256xi32, #tpu.memory_space<vmem>>
    %dma_start3A_8 = tpu.memref_squeeze %dma_start3A_7 : memref<1x256xi32, #tpu.memory_space<vmem>> -> memref<256xi32, #tpu.memory_space<vmem>>
    %dma_start3A_9 = arith.constant 0 : i32
    %dma_start3A_10 = arith.constant 0 : i32
    %dma_start3A_11 = tpu.memref_slice %arg2[%dma_start3A_9, %dma_start3A_10] : memref<2000000x32xf32, #tpu.memory_space<hbm>> -> memref<2000000x32xf32, #tpu.memory_space<hbm>>
    tpu.enqueue_indirect_dma source(%dma_start3A_11 : memref<2000000x32xf32, #tpu.memory_space<hbm>>) target(%arg6 : memref<256x32xf32, #tpu.memory_space<vmem>>) offsets(%dma_start3A_8 : memref<256xi32, #tpu.memory_space<vmem>>) semaphore(%arg10 : memref<!tpu.dma_semaphore, #tpu.memory_space<semaphore_mem>>)
    %scan3A = arith.constant 0 : i32
    %scan3A_12 = arith.constant 0 : i32
    %scan3A_13 = arith.constant 100 : i32
    %scan3A_14 = arith.addi %scan3A_12, %scan3A_13 : i32
    %scan3A_15 = arith.constant 1 : i32
    scf.for %scan3A_40 = %scan3A_12 to %scan3A_14 step %scan3A_15  : i32 {
      %mul3A_41 = arith.constant 2 : i32
      %mul3A_42 = arith.muli %mul3A_41, %scan3A_40 : i32
      %add3A_43 = arith.constant 0 : i32
      %add3A_44 = arith.addi %mul3A_42, %add3A_43 : i32
      %add3A_45 = arith.constant 1 : i32
      %add3A_46 = arith.addi %add3A_44, %add3A_45 : i32
      %lt3A = arith.constant 200 : i32
      %lt3A_47 = arith.cmpi slt, %add3A_46, %lt3A : i32
      %convert_element_type3A = arith.extui %lt3A_47 : i1 to i32
      %cond3A = arith.constant 0 : i32
      %cond3A_48 = arith.cmpi ne, %convert_element_type3A, %cond3A : i32
      scf.if %cond3A_48 {
        %add3A_181 = arith.constant 1 : i32
        %add3A_182 = arith.addi %add3A_44, %add3A_181 : i32
        %dma_start3A_183 = arith.constant 0 : i32
        %dma_start3A_184 = tpu.memref_slice %arg5[%add3A_182, %dma_start3A_183] : memref<200x256xi32, #tpu.memory_space<vmem>> -> memref<1x256xi32, #tpu.memory_space<vmem>>
        %dma_start3A_185 = tpu.memref_squeeze %dma_start3A_184 : memref<1x256xi32, #tpu.memory_space<vmem>> -> memref<256xi32, #tpu.memory_space<vmem>>
        %dma_start3A_186 = arith.constant 0 : i32
        %dma_start3A_187 = arith.constant 0 : i32
        %dma_start3A_188 = tpu.memref_slice %arg2[%dma_start3A_186, %dma_start3A_187] : memref<2000000x32xf32, #tpu.memory_space<hbm>> -> memref<2000000x32xf32, #tpu.memory_space<hbm>>
        tpu.enqueue_indirect_dma source(%dma_start3A_188 : memref<2000000x32xf32, #tpu.memory_space<hbm>>) target(%arg7 : memref<256x32xf32, #tpu.memory_space<vmem>>) offsets(%dma_start3A_185 : memref<256xi32, #tpu.memory_space<vmem>>) semaphore(%arg11 : memref<!tpu.dma_semaphore, #tpu.memory_space<semaphore_mem>>)
      } else {
      }
      %dma_wait3A_49 = arith.constant 0 : i32
      %dma_wait3A_50 = arith.constant 0 : i32
      %dma_wait3A_51 = tpu.memref_slice %arg5[%dma_wait3A_49, %dma_wait3A_50] : memref<200x256xi32, #tpu.memory_space<vmem>> -> memref<1x256xi32, #tpu.memory_space<vmem>>
      %dma_wait3A_52 = tpu.memref_squeeze %dma_wait3A_51 : memref<1x256xi32, #tpu.memory_space<vmem>> -> memref<256xi32, #tpu.memory_space<vmem>>
      %dma_wait3A_53 = arith.constant 0 : i32
      %dma_wait3A_54 = arith.constant 0 : i32
      %dma_wait3A_55 = tpu.memref_slice %arg2[%dma_wait3A_53, %dma_wait3A_54] : memref<2000000x32xf32, #tpu.memory_space<hbm>> -> memref<2000000x32xf32, #tpu.memory_space<hbm>>
      tpu.wait_indirect_dma semaphore(%arg10 : memref<!tpu.dma_semaphore, #tpu.memory_space<semaphore_mem>>) src(%dma_wait3A_55 : memref<2000000x32xf32, #tpu.memory_space<hbm>>) dst(%arg6 : memref<256x32xf32, #tpu.memory_space<vmem>>)
      %ge3A = arith.constant 2 : i32
      %ge3A_56 = arith.cmpi sge, %add3A_44, %ge3A : i32
      %convert_element_type3A_57 = arith.extui %ge3A_56 : i1 to i32
      %cond3A_58 = arith.constant 0 : i32
      %cond3A_59 = arith.cmpi ne, %convert_element_type3A_57, %cond3A_58 : i32
      scf.if %cond3A_59 {
        %dma_wait3A_181 = arith.constant 0 : i32
        %dma_wait3A_182 = arith.constant 0 : i32
        %dma_wait3A_183 = arith.constant 0 : i32
        %dma_wait3A_184 = arith.constant 0 : i32
        %dma_wait3A_185 = arith.constant 0 : i32
        %dma_wait3A_186 = tpu.memref_slice %arg4[%dma_wait3A_181, %dma_wait3A_183, %dma_wait3A_182, %dma_wait3A_184, %dma_wait3A_185] : memref<50x8x128x8x128xf32, #tpu.memory_space<hbm>> -> memref<1x8x1x8x128xf32, #tpu.memory_space<hbm>>
        %dma_wait3A_187 = tpu.memref_squeeze %dma_wait3A_186 : memref<1x8x1x8x128xf32, #tpu.memory_space<hbm>> -> memref<8x8x128xf32, #tpu.memory_space<hbm>>
        %dma_wait3A_188 = arith.constant 0 : i32
        %dma_wait3A_189 = arith.constant 0 : i32
        %dma_wait3A_190 = arith.constant 0 : i32
        %dma_wait3A_191 = tpu.memref_slice %arg4[%dma_wait3A_181, %dma_wait3A_188, %dma_wait3A_182, %dma_wait3A_189, %dma_wait3A_190] : memref<50x8x128x8x128xf32, #tpu.memory_space<hbm>> -> memref<1x8x1x8x128xf32, #tpu.memory_space<hbm>>
        %dma_wait3A_192 = tpu.memref_squeeze %dma_wait3A_191 : memref<1x8x1x8x128xf32, #tpu.memory_space<hbm>> -> memref<8x8x128xf32, #tpu.memory_space<hbm>>
        tpu.wait_dma2 semaphore(%arg12 : memref<!tpu.dma_semaphore, #tpu.memory_space<semaphore_mem>>) src(%arg8 : memref<8x8x128xf32, #tpu.memory_space<vmem>>) dst(%dma_wait3A_192 : memref<8x8x128xf32, #tpu.memory_space<hbm>>)
      } else {
      }
      %parallel_loop3A = arith.constant 0 : i32
      %parallel_loop3A_60 = arith.constant 512 : i32
      %parallel_loop3A_61 = arith.constant 1 : i32
      scf.for %parallel_loop3A_181 = %parallel_loop3A to %parallel_loop3A_60 step %parallel_loop3A_61  : i32 {
        %parallel_loop3A_182 = arith.constant 6 : i32
        %parallel_loop3A_183 = arith.shrui %parallel_loop3A_181, %parallel_loop3A_182 : i32
        %parallel_loop3A_184 = arith.constant 63 : i32
        %parallel_loop3A_185 = arith.andi %parallel_loop3A_181, %parallel_loop3A_184 : i32
        %parallel_loop3A_186 = arith.constant 5 : i32
        %parallel_loop3A_187 = arith.shli %parallel_loop3A_183, %parallel_loop3A_186 : i32
        %parallel_loop3A_188 = arith.constant 5 : i32
        %parallel_loop3A_189 = arith.shrui %parallel_loop3A_185, %parallel_loop3A_188 : i32
        %parallel_loop3A_190 = arith.addi %parallel_loop3A_187, %parallel_loop3A_189 : i32
        %parallel_loop3A_191 = vector.broadcast %parallel_loop3A_190 : i32 to vector<16xi32>
        %parallel_loop3A_192 = arith.addi %mul3A_5, %parallel_loop3A_191 : vector<16xi32>
        %parallel_loop3A_193 = arith.constant 0 : i32
        %parallel_loop3A_194 = vector.broadcast %parallel_loop3A_193 : i32 to vector<16xi32>
        %parallel_loop3A_195 = arith.constant 31 : i32
        %parallel_loop3A_196 = arith.andi %parallel_loop3A_185, %parallel_loop3A_195 : i32
        %parallel_loop3A_197 = vector.broadcast %parallel_loop3A_196 : i32 to vector<16xi32>
        %parallel_loop3A_198 = arith.addi %parallel_loop3A_194, %parallel_loop3A_197 : vector<16xi32>
        %parallel_loop3A_199 = tpu.vector_load_idx %arg6[%parallel_loop3A_192, %parallel_loop3A_198] : memref<256x32xf32, #tpu.memory_space<vmem>>[vector<16xi32>, vector<16xi32>], vector<16xf32>,
        %parallel_loop3A_200 = arith.constant 3 : i32
        %parallel_loop3A_201 = arith.shrui %parallel_loop3A_185, %parallel_loop3A_200 : i32
        %parallel_loop3A_202 = arith.constant 7 : i32
        %parallel_loop3A_203 = arith.andi %parallel_loop3A_185, %parallel_loop3A_202 : i32
        %parallel_loop3A_204 = arith.constant 16 : i32
        %parallel_loop3A_205 = arith.muli %parallel_loop3A_183, %parallel_loop3A_204 : i32
        %parallel_loop3A_206 = arith.index_cast %parallel_loop3A_201 : i32 to index
        %parallel_loop3A_207 = arith.index_cast %parallel_loop3A_203 : i32 to index
        %parallel_loop3A_208 = arith.index_cast %parallel_loop3A_205 : i32 to index
        %parallel_loop3A_209 = tpu.vector_load %arg8[%parallel_loop3A_206, %parallel_loop3A_207, %parallel_loop3A_208] {strides = array<i32>} : memref<8x8x128xf32, #tpu.memory_space<vmem>>, vector<16xf32>,
        tpu.vector_store %arg8[%parallel_loop3A_206, %parallel_loop3A_207, %parallel_loop3A_208], %parallel_loop3A_199 {strides = array<i32>} : memref<8x8x128xf32, #tpu.memory_space<vmem>>, vector<16xf32>,
      } {sc.loop_unroll_factor = 16 : i64, sc.parallel_access}
      %add3A_62 = arith.addi %mul3A_2, %add3A_44 : i32
      %jit3A = arith.constant 128 : i32
      %div3A = arith.divsi %add3A_62, %jit3A : i32
      %sign3A = arith.constant 0 : i32
      %sign3A_63 = arith.cmpi sgt, %add3A_62, %sign3A : i32
      %sign3A_64 = arith.extui %sign3A_63 : i1 to i32
      %sign3A_65 = arith.constant 0 : i32
      %sign3A_66 = arith.cmpi slt, %add3A_62, %sign3A_65 : i32
      %sign3A_67 = arith.extui %sign3A_66 : i1 to i32
      %sign3A_68 = arith.subi %sign3A_64, %sign3A_67 : i32
      %sign3A_69 = arith.constant 0 : i32
      %sign3A_70 = arith.cmpi sgt, %jit3A, %sign3A_69 : i32
      %sign3A_71 = arith.extui %sign3A_70 : i1 to i32
      %sign3A_72 = arith.constant 0 : i32
      %sign3A_73 = arith.cmpi slt, %jit3A, %sign3A_72 : i32
      %sign3A_74 = arith.extui %sign3A_73 : i1 to i32
      %sign3A_75 = arith.subi %sign3A_71, %sign3A_74 : i32
      %ne3A = arith.cmpi ne, %sign3A_68, %sign3A_75 : i32
      %rem3A = arith.remsi %add3A_62, %jit3A : i32
      %ne3A_76 = arith.constant 0 : i32
      %ne3A_77 = arith.cmpi ne, %rem3A, %ne3A_76 : i32
      %and3A = arith.andi %ne3A, %ne3A_77 : i1
      %sub3A = arith.constant 1 : i32
      %sub3A_78 = arith.subi %div3A, %sub3A : i32
      %select_n3A = arith.select %and3A, %sub3A_78, %div3A : i32
      %jit3A_79 = arith.constant 128 : i32
      %eq3A = arith.constant 0 : i32
      %eq3A_80 = arith.cmpi eq, %jit3A_79, %eq3A : i32
      %jit3A_81 = arith.constant 1 : i32
      %select_n3A_82 = arith.select %eq3A_80, %jit3A_81, %jit3A_79 : i32
      %rem3A_83 = arith.remsi %add3A_62, %select_n3A_82 : i32
      %ne3A_84 = arith.constant 0 : i32
      %ne3A_85 = arith.cmpi ne, %rem3A_83, %ne3A_84 : i32
      %lt3A_86 = arith.constant 0 : i32
      %lt3A_87 = arith.cmpi slt, %rem3A_83, %lt3A_86 : i32
      %lt3A_88 = arith.constant 0 : i32
      %lt3A_89 = arith.cmpi slt, %select_n3A_82, %lt3A_88 : i32
      %ne3A_90 = arith.xori %lt3A_87, %lt3A_89 : i1
      %and3A_91 = arith.andi %ne3A_90, %ne3A_85 : i1
      %add3A_92 = arith.addi %rem3A_83, %select_n3A_82 : i32
      %select_n3A_93 = arith.select %and3A_91, %add3A_92, %rem3A_83 : i32
      %dma_start3A_94 = arith.constant 0 : i32
      %dma_start3A_95 = arith.constant 0 : i32
      %dma_start3A_96 = arith.constant 0 : i32
      %dma_start3A_97 = tpu.memref_slice %arg4[%select_n3A, %dma_start3A_94, %select_n3A_93, %dma_start3A_95, %dma_start3A_96] : memref<50x8x128x8x128xf32, #tpu.memory_space<hbm>> -> memref<1x8x1x8x128xf32, #tpu.memory_space<hbm>>
      %dma_start3A_98 = tpu.memref_squeeze %dma_start3A_97 : memref<1x8x1x8x128xf32, #tpu.memory_space<hbm>> -> memref<8x8x128xf32, #tpu.memory_space<hbm>>
      %dma_start3A_99 = arith.constant 0 : i32
      %dma_start3A_100 = arith.constant 0 : i32
      %dma_start3A_101 = arith.constant 0 : i32
      %dma_start3A_102 = tpu.memref_slice %arg4[%select_n3A, %dma_start3A_99, %select_n3A_93, %dma_start3A_100, %dma_start3A_101] : memref<50x8x128x8x128xf32, #tpu.memory_space<hbm>> -> memref<1x8x1x8x128xf32, #tpu.memory_space<hbm>>
      %dma_start3A_103 = tpu.memref_squeeze %dma_start3A_102 : memref<1x8x1x8x128xf32, #tpu.memory_space<hbm>> -> memref<8x8x128xf32, #tpu.memory_space<hbm>>
      tpu.enqueue_dma source(%arg8 : memref<8x8x128xf32, #tpu.memory_space<vmem>>) target(%dma_start3A_103 : memref<8x8x128xf32, #tpu.memory_space<hbm>>) target_semaphore(%arg12 : memref<!tpu.dma_semaphore, #tpu.memory_space<semaphore_mem>>)
      %mul3A_104 = arith.constant 2 : i32
      %mul3A_105 = arith.muli %mul3A_104, %scan3A_40 : i32
      %add3A_106 = arith.constant 1 : i32
      %add3A_107 = arith.addi %mul3A_105, %add3A_106 : i32
      %add3A_108 = arith.constant 1 : i32
      %add3A_109 = arith.addi %add3A_107, %add3A_108 : i32
      %lt3A_110 = arith.constant 200 : i32
      %lt3A_111 = arith.cmpi slt, %add3A_109, %lt3A_110 : i32
      %convert_element_type3A_112 = arith.extui %lt3A_111 : i1 to i32
      %cond3A_113 = arith.constant 0 : i32
      %cond3A_114 = arith.cmpi ne, %convert_element_type3A_112, %cond3A_113 : i32
      scf.if %cond3A_114 {
        %add3A_181 = arith.constant 1 : i32
        %add3A_182 = arith.addi %add3A_107, %add3A_181 : i32
        %dma_start3A_183 = arith.constant 0 : i32
        %dma_start3A_184 = tpu.memref_slice %arg5[%add3A_182, %dma_start3A_183] : memref<200x256xi32, #tpu.memory_space<vmem>> -> memref<1x256xi32, #tpu.memory_space<vmem>>
        %dma_start3A_185 = tpu.memref_squeeze %dma_start3A_184 : memref<1x256xi32, #tpu.memory_space<vmem>> -> memref<256xi32, #tpu.memory_space<vmem>>
        %dma_start3A_186 = arith.constant 0 : i32
        %dma_start3A_187 = arith.constant 0 : i32
        %dma_start3A_188 = tpu.memref_slice %arg2[%dma_start3A_186, %dma_start3A_187] : memref<2000000x32xf32, #tpu.memory_space<hbm>> -> memref<2000000x32xf32, #tpu.memory_space<hbm>>
        tpu.enqueue_indirect_dma source(%dma_start3A_188 : memref<2000000x32xf32, #tpu.memory_space<hbm>>) target(%arg6 : memref<256x32xf32, #tpu.memory_space<vmem>>) offsets(%dma_start3A_185 : memref<256xi32, #tpu.memory_space<vmem>>) semaphore(%arg10 : memref<!tpu.dma_semaphore, #tpu.memory_space<semaphore_mem>>)
      } else {
      }
      %dma_wait3A_115 = arith.constant 0 : i32
      %dma_wait3A_116 = arith.constant 0 : i32
      %dma_wait3A_117 = tpu.memref_slice %arg5[%dma_wait3A_115, %dma_wait3A_116] : memref<200x256xi32, #tpu.memory_space<vmem>> -> memref<1x256xi32, #tpu.memory_space<vmem>>
      %dma_wait3A_118 = tpu.memref_squeeze %dma_wait3A_117 : memref<1x256xi32, #tpu.memory_space<vmem>> -> memref<256xi32, #tpu.memory_space<vmem>>
      %dma_wait3A_119 = arith.constant 0 : i32
      %dma_wait3A_120 = arith.constant 0 : i32
      %dma_wait3A_121 = tpu.memref_slice %arg2[%dma_wait3A_119, %dma_wait3A_120] : memref<2000000x32xf32, #tpu.memory_space<hbm>> -> memref<2000000x32xf32, #tpu.memory_space<hbm>>
      tpu.wait_indirect_dma semaphore(%arg11 : memref<!tpu.dma_semaphore, #tpu.memory_space<semaphore_mem>>) src(%dma_wait3A_121 : memref<2000000x32xf32, #tpu.memory_space<hbm>>) dst(%arg7 : memref<256x32xf32, #tpu.memory_space<vmem>>)
      %ge3A_122 = arith.constant 2 : i32
      %ge3A_123 = arith.cmpi sge, %add3A_107, %ge3A_122 : i32
      %convert_element_type3A_124 = arith.extui %ge3A_123 : i1 to i32
      %cond3A_125 = arith.constant 0 : i32
      %cond3A_126 = arith.cmpi ne, %convert_element_type3A_124, %cond3A_125 : i32
      scf.if %cond3A_126 {
        %dma_wait3A_181 = arith.constant 0 : i32
        %dma_wait3A_182 = arith.constant 0 : i32
        %dma_wait3A_183 = arith.constant 0 : i32
        %dma_wait3A_184 = arith.constant 0 : i32
        %dma_wait3A_185 = arith.constant 0 : i32
        %dma_wait3A_186 = tpu.memref_slice %arg4[%dma_wait3A_181, %dma_wait3A_183, %dma_wait3A_182, %dma_wait3A_184, %dma_wait3A_185] : memref<50x8x128x8x128xf32, #tpu.memory_space<hbm>> -> memref<1x8x1x8x128xf32, #tpu.memory_space<hbm>>
        %dma_wait3A_187 = tpu.memref_squeeze %dma_wait3A_186 : memref<1x8x1x8x128xf32, #tpu.memory_space<hbm>> -> memref<8x8x128xf32, #tpu.memory_space<hbm>>
        %dma_wait3A_188 = arith.constant 0 : i32
        %dma_wait3A_189 = arith.constant 0 : i32
        %dma_wait3A_190 = arith.constant 0 : i32
        %dma_wait3A_191 = tpu.memref_slice %arg4[%dma_wait3A_181, %dma_wait3A_188, %dma_wait3A_182, %dma_wait3A_189, %dma_wait3A_190] : memref<50x8x128x8x128xf32, #tpu.memory_space<hbm>> -> memref<1x8x1x8x128xf32, #tpu.memory_space<hbm>>
        %dma_wait3A_192 = tpu.memref_squeeze %dma_wait3A_191 : memref<1x8x1x8x128xf32, #tpu.memory_space<hbm>> -> memref<8x8x128xf32, #tpu.memory_space<hbm>>
        tpu.wait_dma2 semaphore(%arg13 : memref<!tpu.dma_semaphore, #tpu.memory_space<semaphore_mem>>) src(%arg9 : memref<8x8x128xf32, #tpu.memory_space<vmem>>) dst(%dma_wait3A_192 : memref<8x8x128xf32, #tpu.memory_space<hbm>>)
      } else {
      }
      %parallel_loop3A_127 = arith.constant 0 : i32
      %parallel_loop3A_128 = arith.constant 512 : i32
      %parallel_loop3A_129 = arith.constant 1 : i32
      scf.for %parallel_loop3A_181 = %parallel_loop3A_127 to %parallel_loop3A_128 step %parallel_loop3A_129  : i32 {
        %parallel_loop3A_182 = arith.constant 6 : i32
        %parallel_loop3A_183 = arith.shrui %parallel_loop3A_181, %parallel_loop3A_182 : i32
        %parallel_loop3A_184 = arith.constant 63 : i32
        %parallel_loop3A_185 = arith.andi %parallel_loop3A_181, %parallel_loop3A_184 : i32
        %parallel_loop3A_186 = arith.constant 5 : i32
        %parallel_loop3A_187 = arith.shli %parallel_loop3A_183, %parallel_loop3A_186 : i32
        %parallel_loop3A_188 = arith.constant 5 : i32
        %parallel_loop3A_189 = arith.shrui %parallel_loop3A_185, %parallel_loop3A_188 : i32
        %parallel_loop3A_190 = arith.addi %parallel_loop3A_187, %parallel_loop3A_189 : i32
        %parallel_loop3A_191 = vector.broadcast %parallel_loop3A_190 : i32 to vector<16xi32>
        %parallel_loop3A_192 = arith.addi %mul3A_5, %parallel_loop3A_191 : vector<16xi32>
        %parallel_loop3A_193 = arith.constant 0 : i32
        %parallel_loop3A_194 = vector.broadcast %parallel_loop3A_193 : i32 to vector<16xi32>
        %parallel_loop3A_195 = arith.constant 31 : i32
        %parallel_loop3A_196 = arith.andi %parallel_loop3A_185, %parallel_loop3A_195 : i32
        %parallel_loop3A_197 = vector.broadcast %parallel_loop3A_196 : i32 to vector<16xi32>
        %parallel_loop3A_198 = arith.addi %parallel_loop3A_194, %parallel_loop3A_197 : vector<16xi32>
        %parallel_loop3A_199 = tpu.vector_load_idx %arg7[%parallel_loop3A_192, %parallel_loop3A_198] : memref<256x32xf32, #tpu.memory_space<vmem>>[vector<16xi32>, vector<16xi32>], vector<16xf32>,
        %parallel_loop3A_200 = arith.constant 3 : i32
        %parallel_loop3A_201 = arith.shrui %parallel_loop3A_185, %parallel_loop3A_200 : i32
        %parallel_loop3A_202 = arith.constant 7 : i32
        %parallel_loop3A_203 = arith.andi %parallel_loop3A_185, %parallel_loop3A_202 : i32
        %parallel_loop3A_204 = arith.constant 16 : i32
        %parallel_loop3A_205 = arith.muli %parallel_loop3A_183, %parallel_loop3A_204 : i32
        %parallel_loop3A_206 = arith.index_cast %parallel_loop3A_201 : i32 to index
        %parallel_loop3A_207 = arith.index_cast %parallel_loop3A_203 : i32 to index
        %parallel_loop3A_208 = arith.index_cast %parallel_loop3A_205 : i32 to index
        %parallel_loop3A_209 = tpu.vector_load %arg9[%parallel_loop3A_206, %parallel_loop3A_207, %parallel_loop3A_208] {strides = array<i32>} : memref<8x8x128xf32, #tpu.memory_space<vmem>>, vector<16xf32>,
        tpu.vector_store %arg9[%parallel_loop3A_206, %parallel_loop3A_207, %parallel_loop3A_208], %parallel_loop3A_199 {strides = array<i32>} : memref<8x8x128xf32, #tpu.memory_space<vmem>>, vector<16xf32>,
      } {sc.loop_unroll_factor = 16 : i64, sc.parallel_access}
      %add3A_130 = arith.addi %mul3A_2, %add3A_107 : i32
      %jit3A_131 = arith.constant 128 : i32
      %div3A_132 = arith.divsi %add3A_130, %jit3A_131 : i32
      %sign3A_133 = arith.constant 0 : i32
      %sign3A_134 = arith.cmpi sgt, %add3A_130, %sign3A_133 : i32
      %sign3A_135 = arith.extui %sign3A_134 : i1 to i32
      %sign3A_136 = arith.constant 0 : i32
      %sign3A_137 = arith.cmpi slt, %add3A_130, %sign3A_136 : i32
      %sign3A_138 = arith.extui %sign3A_137 : i1 to i32
      %sign3A_139 = arith.subi %sign3A_135, %sign3A_138 : i32
      %sign3A_140 = arith.constant 0 : i32
      %sign3A_141 = arith.cmpi sgt, %jit3A_131, %sign3A_140 : i32
      %sign3A_142 = arith.extui %sign3A_141 : i1 to i32
      %sign3A_143 = arith.constant 0 : i32
      %sign3A_144 = arith.cmpi slt, %jit3A_131, %sign3A_143 : i32
      %sign3A_145 = arith.extui %sign3A_144 : i1 to i32
      %sign3A_146 = arith.subi %sign3A_142, %sign3A_145 : i32
      %ne3A_147 = arith.cmpi ne, %sign3A_139, %sign3A_146 : i32
      %rem3A_148 = arith.remsi %add3A_130, %jit3A_131 : i32
      %ne3A_149 = arith.constant 0 : i32
      %ne3A_150 = arith.cmpi ne, %rem3A_148, %ne3A_149 : i32
      %and3A_151 = arith.andi %ne3A_147, %ne3A_150 : i1
      %sub3A_152 = arith.constant 1 : i32
      %sub3A_153 = arith.subi %div3A_132, %sub3A_152 : i32
      %select_n3A_154 = arith.select %and3A_151, %sub3A_153, %div3A_132 : i32
      %jit3A_155 = arith.constant 128 : i32
      %eq3A_156 = arith.constant 0 : i32
      %eq3A_157 = arith.cmpi eq, %jit3A_155, %eq3A_156 : i32
      %jit3A_158 = arith.constant 1 : i32
      %select_n3A_159 = arith.select %eq3A_157, %jit3A_158, %jit3A_155 : i32
      %rem3A_160 = arith.remsi %add3A_130, %select_n3A_159 : i32
      %ne3A_161 = arith.constant 0 : i32
      %ne3A_162 = arith.cmpi ne, %rem3A_160, %ne3A_161 : i32
      %lt3A_163 = arith.constant 0 : i32
      %lt3A_164 = arith.cmpi slt, %rem3A_160, %lt3A_163 : i32
      %lt3A_165 = arith.constant 0 : i32
      %lt3A_166 = arith.cmpi slt, %select_n3A_159, %lt3A_165 : i32
      %ne3A_167 = arith.xori %lt3A_164, %lt3A_166 : i1
      %and3A_168 = arith.andi %ne3A_167, %ne3A_162 : i1
      %add3A_169 = arith.addi %rem3A_160, %select_n3A_159 : i32
      %select_n3A_170 = arith.select %and3A_168, %add3A_169, %rem3A_160 : i32
      %dma_start3A_171 = arith.constant 0 : i32
      %dma_start3A_172 = arith.constant 0 : i32
      %dma_start3A_173 = arith.constant 0 : i32
      %dma_start3A_174 = tpu.memref_slice %arg4[%select_n3A_154, %dma_start3A_171, %select_n3A_170, %dma_start3A_172, %dma_start3A_173] : memref<50x8x128x8x128xf32, #tpu.memory_space<hbm>> -> memref<1x8x1x8x128xf32, #tpu.memory_space<hbm>>
      %dma_start3A_175 = tpu.memref_squeeze %dma_start3A_174 : memref<1x8x1x8x128xf32, #tpu.memory_space<hbm>> -> memref<8x8x128xf32, #tpu.memory_space<hbm>>
      %dma_start3A_176 = arith.constant 0 : i32
      %dma_start3A_177 = arith.constant 0 : i32
      %dma_start3A_178 = arith.constant 0 : i32
      %dma_start3A_179 = tpu.memref_slice %arg4[%select_n3A_154, %dma_start3A_176, %select_n3A_170, %dma_start3A_177, %dma_start3A_178] : memref<50x8x128x8x128xf32, #tpu.memory_space<hbm>> -> memref<1x8x1x8x128xf32, #tpu.memory_space<hbm>>
      %dma_start3A_180 = tpu.memref_squeeze %dma_start3A_179 : memref<1x8x1x8x128xf32, #tpu.memory_space<hbm>> -> memref<8x8x128xf32, #tpu.memory_space<hbm>>
      tpu.enqueue_dma source(%arg9 : memref<8x8x128xf32, #tpu.memory_space<vmem>>) target(%dma_start3A_180 : memref<8x8x128xf32, #tpu.memory_space<hbm>>) target_semaphore(%arg13 : memref<!tpu.dma_semaphore, #tpu.memory_space<semaphore_mem>>)
    }
    %scan3A_16 = arith.constant 100 : i32
    %dma_wait3A = arith.constant 0 : i32
    %dma_wait3A_17 = arith.constant 0 : i32
    %dma_wait3A_18 = arith.constant 0 : i32
    %dma_wait3A_19 = arith.constant 0 : i32
    %dma_wait3A_20 = arith.constant 0 : i32
    %dma_wait3A_21 = tpu.memref_slice %arg4[%dma_wait3A, %dma_wait3A_18, %dma_wait3A_17, %dma_wait3A_19, %dma_wait3A_20] : memref<50x8x128x8x128xf32, #tpu.memory_space<hbm>> -> memref<1x8x1x8x128xf32, #tpu.memory_space<hbm>>
    %dma_wait3A_22 = tpu.memref_squeeze %dma_wait3A_21 : memref<1x8x1x8x128xf32, #tpu.memory_space<hbm>> -> memref<8x8x128xf32, #tpu.memory_space<hbm>>
    %dma_wait3A_23 = arith.constant 0 : i32
    %dma_wait3A_24 = arith.constant 0 : i32
    %dma_wait3A_25 = arith.constant 0 : i32
    %dma_wait3A_26 = tpu.memref_slice %arg4[%dma_wait3A, %dma_wait3A_23, %dma_wait3A_17, %dma_wait3A_24, %dma_wait3A_25] : memref<50x8x128x8x128xf32, #tpu.memory_space<hbm>> -> memref<1x8x1x8x128xf32, #tpu.memory_space<hbm>>
    %dma_wait3A_27 = tpu.memref_squeeze %dma_wait3A_26 : memref<1x8x1x8x128xf32, #tpu.memory_space<hbm>> -> memref<8x8x128xf32, #tpu.memory_space<hbm>>
    tpu.wait_dma2 semaphore(%arg12 : memref<!tpu.dma_semaphore, #tpu.memory_space<semaphore_mem>>) src(%arg8 : memref<8x8x128xf32, #tpu.memory_space<vmem>>) dst(%dma_wait3A_27 : memref<8x8x128xf32, #tpu.memory_space<hbm>>)
    %dma_wait3A_28 = arith.constant 0 : i32
    %dma_wait3A_29 = arith.constant 0 : i32
    %dma_wait3A_30 = arith.constant 0 : i32
    %dma_wait3A_31 = arith.constant 0 : i32
    %dma_wait3A_32 = arith.constant 0 : i32
    %dma_wait3A_33 = tpu.memref_slice %arg4[%dma_wait3A_28, %dma_wait3A_30, %dma_wait3A_29, %dma_wait3A_31, %dma_wait3A_32] : memref<50x8x128x8x128xf32, #tpu.memory_space<hbm>> -> memref<1x8x1x8x128xf32, #tpu.memory_space<hbm>>
    %dma_wait3A_34 = tpu.memref_squeeze %dma_wait3A_33 : memref<1x8x1x8x128xf32, #tpu.memory_space<hbm>> -> memref<8x8x128xf32, #tpu.memory_space<hbm>>
    %dma_wait3A_35 = arith.constant 0 : i32
    %dma_wait3A_36 = arith.constant 0 : i32
    %dma_wait3A_37 = arith.constant 0 : i32
    %dma_wait3A_38 = tpu.memref_slice %arg4[%dma_wait3A_28, %dma_wait3A_35, %dma_wait3A_29, %dma_wait3A_36, %dma_wait3A_37] : memref<50x8x128x8x128xf32, #tpu.memory_space<hbm>> -> memref<1x8x1x8x128xf32, #tpu.memory_space<hbm>>
    %dma_wait3A_39 = tpu.memref_squeeze %dma_wait3A_38 : memref<1x8x1x8x128xf32, #tpu.memory_space<hbm>> -> memref<8x8x128xf32, #tpu.memory_space<hbm>>
    tpu.wait_dma2 semaphore(%arg13 : memref<!tpu.dma_semaphore, #tpu.memory_space<semaphore_mem>>) src(%arg9 : memref<8x8x128xf32, #tpu.memory_space<vmem>>) dst(%dma_wait3A_39 : memref<8x8x128xf32, #tpu.memory_space<hbm>>)
    return
  }
}

</mosaic_0001>

<sc_bundles>
// kernel: kernel.3.cloned.1.call-start
scs
__scs_entry_jumppad:
0x0: {  	(pc) =	sbr.rel $0x88, $3  }
0x1: {  	(tag) =	ssettag $0x0;
	lr =	simm.s32 $0x1  }
0x2: {  	[smem:$0x3F9F] =	sst lr;
	_ =	strace $0xD0000000  }
0x3: {  	_ = 	snop  }
0x4: {  	_ = 	snop  }
0x5: {  	_ = 	snop  }
0x6: {  	_ = 	snop  }
0x7: {  	_ = 	snop  }
__scs_overlays_trampoline_lowered:
0x8: {  	[smem:$0x3FAE] =	sst s0  }
0x9: {  	[smem:$0x3FAF] =	sst s1  }
0xa: {  	[smem:$0x3FB0] =	sst s2  }
0xb: {  	[smem:$0x3FB1] =	sst s3  }
0xc: {  	[smem:$0x3FB2] =	sst s4  }
0xd: {  	[smem:$0x3FB3] =	sst s5  }
0xe: {  	[smem:$0x3FB4] =	sst s6  }
0xf: {  	[smem:$0x3FB5] =	sst s7  }
0x10: {  	[smem:$0x3FB6] =	sst s8  }
0x11: {  	[smem:$0x3FB7] =	sst s9;
	s0 =	simm.s32 @!p0 $0x0  }
0x12: {  	s1 =	sld [smem:$0x3F9D];
	s0 =	simm.s32 @p0 $0x1  }
0x13: {  	[smem:$0x3FB8] =	sst s0;
	s0 =	simm.s32 @!p1 $0x0  }
0x14: {  	s2 =	sld [smem:$0x3F9C];
	s0 =	simm.s32 @p1 $0x1  }
0x15: {  	[smem:$0x3FB9] =	sst s0;
	s0 =	simm.s32 @!p2 $0x0  }
0x16: {  	s3 =	sld [smem:$0x3FDB];
	s0 =	simm.s32 @p2 $0x1  }
0x17: {  	s4 =	simm.s32 $0x1BF5;
	[smem:$0x3FBB] =	sst s0  }
0x18: {  	s0 =	sld [smem:$0x3F9E];
	_ =	swait.ge [sflag:s4], $0x0  }
0x19: {  	s7 =	sld [smem:$0x3F9F]  }
0x1a: {  	s8 =	sadd.s32 $0xFFFFE003, lr  }
0x1b: {  	s9 =	sadd.s32 $0xFFFFFEF7, lr;
	s5 =	simm.s32 $0xFFFFFFFF;
	p2 =	slt.u32 s8, $0xFFFFF086  }
0x1c: {  	p1 =	slt.u32 s9, $0xF7A;
	s5 =	simm.s32 @!p2 $0x0  }
0x1d: {  	s5 =	simm.s32 @p1 $0x1;
	p0 =	seq.s32 s7, s2  }
0x1e: {  	s7 =	smul.u32 @!p0 $0xF7A, s2;
	p2 =	seq.s32 @!p0 s5, $0x0  }
0x1f: {  	s9 =	smul.u32 $0xF7A, s1;
	s8 =	simm.s32 @!p0 $0x1BF5;
	p2 =	por !p2, p0  }
0x20: {  	[sflag:s8] =	ssyncset.s32 @!p0 $0xFFFFF086;
	s6 =	sadd.s32 @!p0 s3, s7;
	s7 =	simm.s32 @!p0 $0x108  }
0x21: {  	s3 =	sadd.s32 s3, s9;
	s6 =	sadd.s32 @!p0 $0x88, s6;
	s7 =	simm.s32 @p2 $0x1082  }
0x22: {  	[simem:s7], [sflag:s8] =	dma.local @!p0 [hbm:s6], $0xF7A  }
0x23: {  	s9 =	sor.u32 $0xD0000000, s2;
	s6 =	simm.s32 $0x108;
	_ =	swait.ge @!p0 [sflag:s8], $0x0  }
0x24: {  	s3 =	sadd.s32 $0x88, s3;
	s6 =	simm.s32 @!p1 $0x1082;
	[sflag:s4] =	ssyncset.s32 $0xFFFFF086  }
0x25: {  	[simem:s6], [sflag:s4] =	dma.local [hbm:s3], $0xF7A  }
0x26: {  	[smem:$0x3F9F] =	sst s1;
	(tag) =	ssettag s2;
	_ =	strace s9  }
0x27: {  	s1 =	sld [smem:$0x3FAF]  }
0x28: {  	s2 =	sld [smem:$0x3FB0]  }
0x29: {  	s4 =	sld [smem:$0x3FB2]  }
0x2a: {  	p0 =	seq.s32 s5, $0x0;
	s5 =	sld [smem:$0x3FB3]  }
0x2b: {  	s6 =	sld [smem:$0x3FB4]  }
0x2c: {  	s7 =	sld [smem:$0x3FB5]  }
0x2d: {  	s3 =	simm.s32 $0x108;
	s8 =	sld [smem:$0x3FB6]  }
0x2e: {  	s3 =	simm.s32 @!p0 $0x1082;
	s9 =	sld [smem:$0x3FB7]  }
0x2f: {  	lr =	sadd.s32 s0, s3;
	s0 =	sld [smem:$0x3FAE]  }
0x30: {  	s3 =	sld [smem:$0x3FB1]  }
0x31: {  	[smem:$0x3FBA] =	sst s10  }
0x32: {  	s10 =	sld [smem:$0x3FB8];
	_ =	sdelay $0x3  }
0x33: {  	p0 =	seq.s32 s10, $0x1;
	s10 =	sld [smem:$0x3FBA];
	_ =	sdelay $0x3  }
0x34: {  	[smem:$0x3FBA] =	sst s10  }
0x35: {  	s10 =	sld [smem:$0x3FB9];
	_ =	sdelay $0x3  }
0x36: {  	p1 =	seq.s32 s10, $0x1;
	s10 =	sld [smem:$0x3FBA];
	_ =	sdelay $0x3  }
0x37: {  	[smem:$0x3FBA] =	sst s10  }
0x38: {  	s10 =	sld [smem:$0x3FBB]  }
0x39: {  	_ = 	snop;
	(pc) =	sbr.ind lr, $3  }
0x3a: {  	_ = 	snop  }
0x3b: {  	_ = 	snop  }
0x3c: {  	p2 =	seq.s32 s10, $0x1;
	s10 =	sld [smem:$0x3FBA]  }
0x3d: {  	_ =	shalt  }
0x3e: {  	_ =	shalt  }
0x3f: {  	_ =	shalt  }
0x40: {  	_ =	shalt  }
0x41: {  	_ =	shalt  }
0x42: {  	_ =	shalt  }
0x43: {  	_ =	shalt  }
0x44: {  	_ =	shalt  }
0x45: {  	_ =	shalt  }
0x46: {  	_ =	shalt  }
0x47: {  	_ =	shalt  }
0x48: {  	_ =	shalt  }
0x49: {  	_ =	shalt  }
0x4a: {  	_ =	shalt  }
0x4b: {  	_ =	shalt  }
0x4c: {  	_ =	shalt  }
0x4d: {  	_ =	shalt  }
0x4e: {  	_ =	shalt  }
0x4f: {  	_ =	shalt  }
0x50: {  	_ =	shalt  }
0x51: {  	_ =	shalt  }
0x52: {  	_ =	shalt  }
0x53: {  	_ =	shalt  }
0x54: {  	_ =	shalt  }
0x55: {  	_ =	shalt  }
0x56: {  	_ =	shalt  }
0x57: {  	_ =	shalt  }
0x58: {  	_ =	shalt  }
0x59: {  	_ =	shalt  }
0x5a: {  	_ =	shalt  }
0x5b: {  	_ =	shalt  }
0x5c: {  	_ =	shalt  }
0x5d: {  	_ =	shalt  }
0x5e: {  	_ =	shalt  }
0x5f: {  	_ =	shalt  }
0x60: {  	_ =	shalt  }
0x61: {  	_ =	shalt  }
0x62: {  	_ =	shalt  }
0x63: {  	_ =	shalt  }
0x64: {  	_ =	shalt  }
0x65: {  	_ =	shalt  }
0x66: {  	_ =	shalt  }
0x67: {  	_ =	shalt  }
0x68: {  	_ =	shalt  }
0x69: {  	_ =	shalt  }
0x6a: {  	_ =	shalt  }
0x6b: {  	_ =	shalt  }
0x6c: {  	_ =	shalt  }
0x6d: {  	_ =	shalt  }
0x6e: {  	_ =	shalt  }
0x6f: {  	_ =	shalt  }
0x70: {  	_ =	shalt  }
0x71: {  	_ =	shalt  }
0x72: {  	_ =	shalt  }
0x73: {  	_ =	shalt  }
0x74: {  	_ =	shalt  }
0x75: {  	_ =	shalt  }
0x76: {  	_ =	shalt  }
0x77: {  	_ =	shalt  }
0x78: {  	_ =	shalt  }
0x79: {  	_ =	shalt  }
0x7a: {  	_ =	shalt  }
0x7b: {  	_ =	shalt  }
0x7c: {  	_ =	shalt  }
0x7d: {  	_ =	shalt  }
0x7e: {  	_ =	shalt  }
0x7f: {  	_ =	shalt  }
0x80: {  	_ =	shalt  }
0x81: {  	_ =	shalt  }
0x82: {  	_ =	shalt  }
0x83: {  	_ =	shalt  }
0x84: {  	_ =	shalt  }
0x85: {  	_ =	shalt  }
0x86: {  	_ =	shalt  }
0x87: {  	_ =	shalt  }
.Lfunc_end0:
.L_simem_size_0:
called_computation_lowered:
.L_overlay_start_0:
0x88: {  	s2 =	sld [smem:$0x3FD9]  }
0x89: {  	s3 =	sld [smem:$0x3FFE];
	_ =	sdelay $0x1  }
0x8a: {  	s1 =	srdreg.scid  }
0x8b: {  	s0 =	sand.u32 $0x1, s1  }
0x8c: {  	s17 =	sshll.u32 s0, $0xA;
	s2 =	sadd.s32 s3, s2  }
0x8d: {  	s2 =	sadd.s32 s2, s17  }
0x8e: {  	[smem:$0x3FC6] =	sst s2  }
0x8f: {  	_ = 	snop  }
0x90: {  	s2 =	sld [smem:$0x3FD0];
	(tm) =	ssettm $0x1  }
0x91: {  	s18 =	sld [smem:$0x3FFB];
	_ =	sdelay $0x3  }
0x92: {  	_ =	strace s18  }
0x93: {  	s3 =	sld [smem:$0x3FFC];
	_ =	sdelay $0x3  }
0x94: {  	_ =	strace s3  }
0x95: {  	s3 =	sld [smem:$0x3FFD];
	_ =	sdelay $0x3  }
0x96: {  	_ =	strace s3  }
0x97: {  	_ =	strace $0x8FFFFFFF  }
0x98: {  	s19 =	sld [smem:$0x3FDB];
	_ =	sdelay $0x1  }
0x99: {  	s4 =	simm.s32 $_scs_section_size  }
0x9a: {  	s5 =	simm.s32 $_size__tile_overlayer_lowered;
	s6 =	simm.s32 $_tile_overlayer_lowered  }
0x9b: {  	s22 =	simm.s32 $0x1BFF;
	s21 =	sshll.u32 s6, $0x1;
	s3 =	sadd.s32 s4, s19  }
0x9c: {  	s7 =	simm.s32 $0x0;
	s20 =	sshll.u32 s5, $0x1;
	s5 =	sadd.s32 s21, s3  }
0x9d: {  	[timem:s7], [sflag:s22] =	dma.local [hbm:s5], s20  }
0x9e: {  	_ =	swait.ge [sflag:s22], s20  }
0x9f: {  	s4 =	ssub.s32 $0x0, s20;
	[sflag:s22] =	ssyncset.done $0x0  }
0xa0: {  	[sflag:s22] =	ssyncadd.s32 s4;
	_ =	sdelay $0x1  }
0xa1: {  	s23 =	simm.s32 $0x1B8B  }
0xa2: {  	_ =	swait.ge [sflag:s23], $0x1  }
0xa3: {  	[sflag:s23] =	ssyncset.done $0x0  }
0xa4: {  	s25 =	simm.s32 $0x1B8E;
	s24 =	sld [smem:$0x3FFE];
	[sflag:s23] =	ssyncadd.s32 $0xFFFFFFFF  }
0xa5: {  	s26 =	simm.s32 $execute0_lowered;
	[smem:$0x3FD2] =	sst s25  }
0xa6: {  	s5 =	sshll.u32 s26, $0x1;
	_ =	strace $0x80000046;
	[dreg:$0x1] =	wrdreg $0xFFFFFFFF  }
0xa7: {  	s28 =	simm.s32 $_size_execute0_lowered;
	s3 =	sadd.s32 s3, s5;
	[dreg:$0x0] =	wrdreg $0x0  }
0xa8: {  	s5 =	sshll.u32 s28, $0x1;
	[dreg:$0x2] =	wrdreg s3  }
0xa9: {  	[dreg:$0x3] =	wrdreg s5  }
0xaa: {  	[dreg:$0x4] =	wrdreg $0xC0  }
0xab: {  	_ =	task [dreg:s7], $0x5FFFF  }
0xac: {  	[dreg:$0x1] =	wrdreg $0xFFFFFFFF  }
0xad: {  	[dreg:$0x0] =	wrdreg $0x60  }
0xae: {  	[dreg:$0x2] =	wrdreg s24  }
0xaf: {  	[dreg:$0x3] =	wrdreg s2  }
0xb0: {  	[dreg:$0x4] =	wrdreg $0x9  }
0xb1: {  	_ =	task.clear_ibuf [dreg:s7], $0x5FFFF;
	_ =	strace $0x90000046  }
0xb2: {  	s29 =	simm.s32 $0x9;
	_ =	strace $0x80000048  }
0xb3: {  	_ =	swait.ge [sflag:s29], $0x1  }
0xb4: {  	[sflag:s29] =	ssyncadd.s32 $0xFFFFFFFF  }
0xb5: {  	_ =	strace $0x90000048  }
0xb6: {  	_ =	sfence  }
0xb7: {  	s30 =	sld [smem:$0x0];
	_ =	sdelay $0x2  }
0xb8: {  	s31 =	sshll.u32 s1, $0xD;
	s1 =	sshrl.u32 s1, $0x2  }
0xb9: {  	s3 =	sand.u32 $0x4000, s31;
	s1 =	sadd.s32 s1, s30  }
0xba: {  	s0 =	sor.u32 s3, s0;
	s1 =	sshll.u32 s1, $0x11  }
0xbb: {  	s0 =	sor.u32 s1, s0  }
0xbc: {  	s0 =	sadd.s32 $0x8F2B, s0  }
0xbd: {  	[sflag:s0] =	ssyncadd.remote.s32 $0x1  }
0xbe: {  	_ =	sfence.sel $0xFFFF  }
0xbf: {  	[dreg:$0x0] =	wrdreg $0xFFFFFFFF;
	(pc) =	sbr.abs _section_cstart, $3  }
0xc0: {  	[dreg:$0x1] =	wrdreg $0xFFFFFFFF  }
0xc1: {  	_ =	task.clear_ibuf [dreg:s7], $0x2FFFF;
	_ =	strace $0x9FFFFFFF  }
0xc2: {  	(tm) =	ssettm $0x7FFFFFFF  }
0xc3: {  	_ =	shalt  }
tec
execute0_lowered:
.L_overlay_start_1:
0x0: {  	(tag) =	ssettag $0x1  }
0x1: {  	s1 =	srdreg.scid;
	s2 =	stileid.u32  }
0x2: {  	s1 =	sand.u32 $0x1, s1;
	s2 =	sshll.u32 s2, $0x1  }
0x3: {  	s0 =	rddreg [dreg:$0x0];
	s3 =	simm.s32 $0x0;
	s2 =	sor.u32 s1, s2  }
0x4: {  	[smem:$0x7FF] =	sst s3;
	s1 =	ssub.s32 $0x2, s1;
	s30 =	smul.u32 $0x1900, s2  }
0x5: {  	s4 =	sadd.s32 $0xF42A00, s0;
	s5 =	sshrl.u32 s1, $0x1;
	s2 =	smul.u32 $0xC8, s2  }
0x6: {  	_ =	strace $0x80000047;
	[dreg:$0x3] =	wrdreg s4;
	s1 =	ssub.s32 s1, s5  }
0x7: {  	s0 =	sadd.s32 s30, s0;
	[dreg:$0x4] =	wrdreg s2;
	s31 =	smax.u32 s1, $0x1  }
0x8: {  	s10 =	simm.s32 $0xC800;
	v0 =	vlaneseq.u32;
	v1 =	vimm.s32 $0x0;
	vm0 =	vcmask $0x300;
	s0 =	sadd.s32 $0x600, s0;
	[dreg:$0x6] =	wrdreg s31  }
0x9: {  	s11 =	simm.s32 $0xE800;
	v0 =	vmul.u32 $0x40, v0;
	v1 =	vsel vm0, $0x3, v1;
	s2 =	simm.s32 $0x0;
	[dreg:$0x5] =	wrdreg s0  }
.LBB2_1:
0xa: {  	[dreg:$0x7] =	wrdreg s2  }
0xb: {  	s0 =	simm.s32 $0x0;
	s1 =	rddreg [dreg:$0x5];
	s29 =	simm.s32 $0x5  }
0xc: {  	[tilespmem:s0], [sflag:$0x5] =	stream.linear.gather [hbm4b:s1+s0], $0xC800, $0x38;
	[tilespmem:$0x14800] =	vst v63  }
0xd: {  	_ =	swait.ge [sflag:s29], $0xC800  }
0xe: {  	[sflag:s29] =	ssyncset.done $0x0  }
0xf: {  	s31 =	simm.s32 $0x100;
	s30 =	rddreg [dreg:$0x3];
	[sflag:s29] =	ssyncadd.s32 $0xFFFF3800  }
0x10: {  	[tilespmem:s10], [sflag:$0x1] =	stream.indirect.gather [hbm4b:s30+s31], $0x20, s0, s31, $0xb8;
	[tilespmem:$0x14800] =	vst v63  }
0x11: {  	s0 =	simm.s32 $0x0  }
.LBB2_2:
0x12: {  	s1 =	simm.s32 $0x2  }
0x13: {  	s5 =	simm.s32 $0x0;
	s3 =	simm.s32 $0x1;
	s6 =	simm.s32 $0x3  }
0x14: {  	s24 =	simm.s32 $0x5;
	s16 =	simm.s32 $0x6;
	s23 =	simm.s32 $0xA  }
0x15: {  	s8 =	simm.s32 $0xC;
	s18 =	simm.s32 $0xB;
	s30 =	simm.s32 $0x8  }
0x16: {  	s4 =	sand.u32 $0x32, s1;
	s9 =	sand.u32 $0x10, s3;
	s14 =	sand.u32 $0x10, s1  }
0x17: {  	s15 =	sand.u32 $0x10, s6;
	s2 =	sand.u32 $0x33, s6;
	s13 =	sand.u32 $0xE0, s5  }
0x18: {  	s17 =	sand.u32 $0x10, s16;
	s29 =	sand.u32 $0x35, s24;
	s26 =	sand.u32 $0x18, s23  }
0x19: {  	s7 =	sand.u32 $0x3B, s18;
	s28 =	sand.u32 $0x18, s18;
	[dreg:$0xc] =	wrdreg s4  }
0x1a: {  	s6 =	sand.u32 $0x18, s8;
	s25 =	sand.u32 $0x38, s30;
	[dreg:$0xb] =	wrdreg s29;
	v2 =	vmov s9;
	v4 =	vmov s14;
	v5 =	vmov s15  }
0x1b: {  	s19 =	sshrl.u32 s29, $0x5;
	s29 =	sand.u32 $0x36, s16;
	s16 =	sand.u32 $0x18, s30;
	v6 =	vmov s17;
	v8 =	vmov s26;
	v9 =	vmov s28  }
0x1c: {  	s22 =	sand.u32 $0x31, s3;
	s12 =	sshrl.u32 s4, $0x5;
	[dreg:$0x10] =	wrdreg s2;
	v16 =	vmov s6;
	v14 =	vmov s16;
	v4 =	vshrl.u32 v4, $0x3  }
0x1d: {  	s20 =	sshrl.u32 s7, $0x5;
	s3 =	sshrl.u32 s22, $0x5;
	s2 =	sshrl.u32 s2, $0x5;
	v8 =	vshrl.u32 v8, $0x3;
	v2 =	vshrl.u32 v2, $0x3;
	v5 =	vshrl.u32 v5, $0x3  }
0x1e: {  	s31 =	sor.u32 s13, s19;
	s4 =	sor.u32 s13, s20;
	s1 =	sor.u32 s13, s12;
	v9 =	vshrl.u32 v9, $0x3;
	v16 =	vshrl.u32 v16, $0x3;
	v6 =	vshrl.u32 v6, $0x3  }
0x1f: {  	s20 =	sand.u32 $0x3C, s8;
	s19 =	simm.s32 $0x4;
	s2 =	sor.u32 s13, s2;
	v10 =	vmov s31;
	v12 =	vmov s4;
	v18 =	vmov s1  }
0x20: {  	s8 =	sand.u32 $0x3A, s23;
	[dreg:$0xe] =	wrdreg s20;
	s23 =	sshrl.u32 s20, $0x5;
	v21 =	vmov s2;
	v4 =	vshll.u32 v4, v1;
	v8 =	vshll.u32 v8, v1  }
0x21: {  	s20 =	smov.u32 s0;
	s0 =	sor.u32 s13, s3;
	s3 =	sand.u32 $0x10, s19;
	v2 =	vshll.u32 v2, v1;
	v5 =	vshll.u32 v5, v1;
	v6 =	vshll.u32 v6, v1  }
0x22: {  	s18 =	simm.s32 $0x9;
	s21 =	sshrl.u32 s8, $0x5;
	s30 =	sand.u32 $0x34, s19;
	v17 =	vmov s0;
	v22 =	vmov s3;
	v4 =	vbroadcast v4, $0x0  }
0x23: {  	s5 =	sor.u32 s13, s21;
	s21 =	sor.u32 s13, s23;
	s23 =	sshrl.u32 s29, $0x5;
	v18 =	vshll.u32 v18, $0x5;
	v8 =	vbroadcast v8, $0x0;
	v2 =	vbroadcast v2, $0x0  }
0x24: {  	s12 =	sor.u32 s13, s23;
	s23 =	simm.s32 $0x0;
	v13 =	vmov s5;
	s5 =	simm.s32 $0xE;
	v15 =	vmov s21;
	v18 =	vor.u32 v0, v18  }
0x25: {  	s19 =	sand.u32 $0x39, s18;
	v56 =	vshrl.u32 v22, $0x3;
	s14 =	sand.u32 $0x10, s23;
	s6 =	sand.u32 $0x18, s5;
	v20 =	vmov s12;
	v13 =	vshll.u32 v13, $0x5  }
0x26: {  	s15 =	simm.s32 $0xD;
	s17 =	sshrl.u32 s19, $0x5;
	v4 =	vor.u32 v4, v18;
	v7 =	vmov s14;
	v19 =	vmov s6  }
0x27: {  	s9 =	sand.u32 $0x30, s23;
	s14 =	sand.u32 $0x18, s15;
	s15 =	sshrl.u32 s25, $0x5;
	v13 =	vor.u32 v0, v13;
	v20 =	vshll.u32 v20, $0x5;
	v4 =	vor.u32 $0x2, v4  }
0x28: {  	v11 =	vmov s14;
	s26 =	sor.u32 s13, s15;
	s15 =	sor.u32 s13, s17;
	s17 =	sshrl.u32 s9, $0x5;
	v8 =	vor.u32 v8, v13;
	v13 =	vshll.u32 v17, $0x5  }
0x29: {  	s4 =	simm.s32 $0x7;
	s12 =	sor.u32 s17, s13;
	v3 =	vmov s26;
	v25 =	vmov s15;
	v13 =	vor.u32 v0, v13  }
0x2a: {  	s14 =	sand.u32 $0x37, s4;
	v8 =	vor.u32 $0x2, v8;
	v23 =	vmov s12;
	v13 =	vor.u32 v2, v13  }
0x2b: {  	s21 =	sshrl.u32 s30, $0x5;
	s17 =	sand.u32 $0x3E, s5;
	s16 =	sshrl.u32 s14, $0x5;
	v2 =	vbroadcast v5, $0x0;
	v5 =	vshll.u32 v9, v1;
	v9 =	vshll.u32 v12, $0x5  }
0x2c: {  	s1 =	sor.u32 s13, s16;
	s12 =	sor.u32 s13, s21;
	s21 =	sand.u32 $0x10, s24;
	v12 =	vshll.u32 v21, $0x5;
	v59 =	vshll.u32 v25, $0x5;
	v3 =	vshll.u32 v3, $0x5  }
0x2d: {  	s3 =	sshllo.u32 s20, $0x1;
	s5 =	simm.s32 $0xF;
	s6 =	sshrl.u32 s17, $0x5;
	v24 =	vmov s1;
	v26 =	vmov s12;
	v28 =	vmov s21  }
0x2e: {  	s15 =	sand.u32 $0x3F, s5;
	s2 =	sand.u32 $0x18, s5;
	s5 =	sshll.u32 s3, $0x8;
	v5 =	vbroadcast v5, $0x0;
	v9 =	vor.u32 v0, v9;
	v12 =	vor.u32 v0, v12  }
0x2f: {  	s16 =	sor.u32 s13, s6;
	s24 =	sshrl.u32 s15, $0x5;
	s0 =	sand.u32 $0x3FFFFF00, s5;
	v13 =	vor.u32 $0x1, v13;
	v57 =	vshll.u32 v23, $0x5;
	v23 =	vor.u32 v0, v59  }
0x30: {  	s6 =	rddreg [dreg:$0x3];
	s12 =	simm.s32 $0x100;
	v27 =	vmov s16;
	s26 =	sor.u32 s13, s24;
	v12 =	vor.u32 v2, v12;
	v2 =	vshll.u32 v16, v1  }
0x31: {  	[tilespmem:s11], [sflag:$0x2] =	stream.indirect.gather [hbm4b:s6+s12], $0x20, s0, s12, $0xb8;
	v53 =	vshrl.u32 v28, $0x3;
	v29 =	vmov s26;
	v5 =	vor.u32 v5, v9;
	[tilespmem:$0x14800] =	vst v63  }
0x32: {  	[dreg:$0x9] =	wrdreg s3;
	s16 =	simm.s32 $0x1;
	v2 =	vbroadcast v2, $0x0;
	v9 =	vshll.u32 v15, $0x5;
	v17 =	vshll.u32 v53, v1  }
0x33: {  	s8 =	sshll.u32 s8, $0x7;
	_ =	swait.ge [sflag:s16], $0x2000;
	v12 =	vor.u32 $0x3, v12;
	v9 =	vor.u32 v0, v9;
	v15 =	vshll.u32 v29, $0x5  }
0x34: {  	p0 =	seq.s32 s20, $0x0;
	s1 =	sand.u32 $0x18, s18;
	v58 =	vshll.u32 v27, $0x5;
	[sflag:s16] =	ssyncset.done $0x0;
	v52 =	vor.u32 v2, v9;
	v2 =	vor.u32 v0, v15  }
0x35: {  	s18 =	simm.s32 $0xD;
	v15 =	vbroadcast v6, $0x0;
	v6 =	vshrl.u32 v7, $0x3;
	[sflag:s16] =	ssyncadd.s32 $0xFFFFE000;
	v7 =	vor.u32 s2, v2;
	s2 =	simm.s32 @!p0 $0x3  }
0x36: {  	s3 =	sshll.u32 s7, $0x7;
	s0 =	sand.u32 $0x3D, s18;
	v17 =	vbroadcast v17, $0x0;
	v60 =	vor.u32 $0x3, v5;
	v5 =	vshll.u32 v26, $0x5;
	_ =	swait.ge @!p0 [sflag:s2], $0x2000  }
0x37: {  	s21 =	sand.u32 $0x10, s4;
	s24 =	sshrl.u32 s0, $0x5;
	v22 =	vor.u32 v0, v58;
	v9 =	vmov s1;
	v5 =	vor.u32 v0, v5;
	[sflag:s2] =	ssyncset.done @!p0 $0x0  }
0x38: {  	s4 =	sshll.u32 s17, $0x7;
	s1 =	sor.u32 s13, s24;
	v2 =	vshll.u32 v10, $0x5;
	v6 =	vshll.u32 v6, v1;
	v10 =	vshrl.u32 v11, $0x3;
	[sflag:s2] =	ssyncadd.s32 @!p0 $0xFFFFE000  }
0x39: {  	s5 =	sshll.u32 s14, $0x7;
	s14 =	sshll.u32 s22, $0x7;
	s22 =	sshll.u32 s29, $0x7;
	v55 =	vmov s1;
	v9 =	vshrl.u32 v9, $0x3;
	v11 =	vor.u32 v0, v2;
	v8 =	vld.idx.msk [tilespmem:v8+s10+$0x0], $0xffff  }
0x3a: {  	s29 =	sshll.u32 s30, $0x7;
	s30 =	sshll.u32 s20, $0x1;
	s26 =	sand.u32 $0x1C0, s23;
	v10 =	vshll.u32 v10, v1;
	v2 =	vshrl.u32 v14, $0x3;
	v14 =	vshll.u32 v24, $0x5;
	v13 =	vld.idx.msk [tilespmem:v13+s10+$0x0], $0xffff  }
0x3b: {  	s6 =	sshll.u32 s15, $0x7;
	s18 =	sshll.u32 s25, $0x7;
	s12 =	sshrl.u32 s26, $0x2;
	v7 =	vor.u32 $0x7, v7;
	v6 =	vbroadcast v6, $0x0;
	v2 =	vshll.u32 v2, v1  }
0x3c: {  	s25 =	sshll.u32 s9, $0x7;
	s0 =	sshll.u32 s0, $0x7;
	s31 =	sor.u32 s12, s3;
	v14 =	vor.u32 v0, v14;
	v54 =	vbroadcast v10, $0x0;
	v10 =	vshrl.u32 v19, $0x3;
	v12 =	vld.idx.msk [tilespmem:v12+s10+$0x0], $0xffff  }
0x3d: {  	s28 =	sor.u32 s12, s0;
	s1 =	sor.u32 s12, s8;
	v11 =	vor.u32 v17, v11;
	v19 =	vshll.u32 v56, v1;
	s15 =	rddreg [dreg:$0x10];
	v14 =	vor.u32 s21, v14;
	v4 =	vld.idx.msk [tilespmem:v4+s10+$0x0], $0xffff  }
0x3e: {  	s26 =	sor.u32 s12, s4;
	s0 =	sor.u32 s12, s14;
	s16 =	rddreg [dreg:$0xc];
	v10 =	vshll.u32 v10, v1;
	v19 =	vbroadcast v19, $0x0;
	v14 =	vor.u32 $0x7, v14;
	[tilespmem:s1+$0x10800] =	vst v8  }
0x3f: {  	s7 =	sor.u32 s12, s5;
	s13 =	sor.u32 s12, s6;
	s2 =	sshll.u32 s15, $0x7;
	v61 =	vor.u32 $0x5, v11;
	v11 =	vor.u32 v0, v3;
	v10 =	vbroadcast v10, $0x0;
	[tilespmem:s0+$0x10800] =	vst v13  }
0x40: {  	s3 =	sshll.u32 s16, $0x7;
	s17 =	sor.u32 s12, s2;
	v5 =	vor.u32 v19, v5;
	v62 =	vld.idx.msk [tilespmem:v7+s10+$0x0], $0xffff;
	v7 =	vshll.u32 v9, v1;
	v9 =	vor.u32 v0, v57;
	s0 =	rddreg [dreg:$0xe]  }
0x41: {  	s24 =	sshll.u32 s19, $0x7;
	s3 =	sor.u32 s12, s3;
	v9 =	vor.u32 v6, v9;
	v6 =	vshll.u32 v55, $0x5;
	v8 =	vor.u32 v10, v22;
	s21 =	rddreg [dreg:$0xb];
	[tilespmem:s17+$0x10800] =	vst v12  }
0x42: {  	s6 =	sor.u32 s12, s25;
	s25 =	simm.s32 $0x8;
	s15 =	sor.u32 s12, s22;
	v3 =	vor.u32 v0, v6;
	v13 =	vbroadcast v7, $0x0;
	v10 =	vld.idx.msk [tilespmem:v60+s10+$0x0], $0xffff;
	v7 =	vor.u32 $0x6, v8;
	[tilespmem:s3+$0x10800] =	vst v4  }
0x43: {  	v2 =	vbroadcast v2, $0x0;
	s2 =	sor.u32 s12, s18;
	v63 =	vor.u32 v54, v3;
	v8 =	vor.u32 $0x4, v5;
	v4 =	vld.idx.msk [tilespmem:v14+s10+$0x0], $0xffff;
	s3 =	sor.u32 s12, s29;
	[dreg:$0x8] =	wrdreg s20  }
0x44: {  	v5 =	vor.u32 $0x4, v52;
	v12 =	vor.u32 v0, v20;
	s0 =	sshll.u32 s0, $0x7;
	s5 =	sshll.u32 s21, $0x7;
	v14 =	vor.u32 v13, v23;
	[dreg:$0xa] =	wrdreg s30  }
0x45: {  	v13 =	vor.u32 v15, v12;
	v12 =	vor.u32 $0x5, v63;
	s8 =	sor.u32 s12, s0;
	s0 =	sor.u32 s12, s24;
	s17 =	sor.u32 s12, s5;
	[tilespmem:s13+$0x10800] =	vst v62;
	v6 =	vld.idx.msk [tilespmem:v61+s10+$0x0], $0xffff;
	v3 =	vor.u32 $0x1, v14  }
.LBB2_3:
0x46: {  	s9 =	sadd.s32 $0x11, s23  }
0x47: {  	s1 =	sadd.s32 $0x12, s23;
	s4 =	sadd.s32 $0x13, s23;
	v2 =	vor.u32 v2, v11;
	v11 =	vld.idx.msk [tilespmem:v7+s10+$0x0], $0xffff;
	s20 =	smov.u32 s23  }
0x48: {  	s14 =	sadd.s32 $0x1E, s23;
	s5 =	sand.u32 $0x10, s9;
	s30 =	sand.u32 $0x32, s1;
	v9 =	vld.idx.msk [tilespmem:v9+s10+$0x0], $0xffff;
	[tilespmem:s31+$0x10800] =	vst v10  }
0x49: {  	s1 =	sand.u32 $0x10, s1;
	v10 =	vor.u32 $0x6, v13;
	v7 =	vmov s5;
	s13 =	sshrl.u32 s30, $0x5;
	s5 =	sand.u32 $0x10, s4;
	v8 =	vld.idx.msk [tilespmem:v8+s10+$0x0], $0xffff  }
0x4a: {  	s12 =	sadd.s32 $0x16, s23;
	v13 =	vmov s1;
	s1 =	sand.u32 $0x33, s4;
	s4 =	sadd.s32 $0x15, s23;
	v14 =	vmov s5  }
0x4b: {  	s19 =	sand.u32 $0xE0, s25;
	s21 =	sadd.s32 $0x1C, s23;
	v13 =	vshrl.u32 v13, $0x3;
	s5 =	sadd.s32 $0x1A, s23;
	v14 =	vshrl.u32 v14, $0x3;
	v12 =	vld.idx.msk [tilespmem:v12+s10+$0x0], $0xffff  }
0x4c: {  	s16 =	sand.u32 $0x10, s12;
	s23 =	sadd.s32 $0x10, s23;
	s18 =	sand.u32 $0x10, s4;
	v13 =	vshll.u32 v13, v1;
	v14 =	vshll.u32 v14, v1;
	[tilespmem:s7+$0x10800] =	vst v4;
	v4 =	vld.idx.msk [tilespmem:v3+s10+$0x0], $0xffff  }
0x4d: {  	s29 =	sand.u32 $0x35, s4;
	s4 =	sand.u32 $0x18, s5;
	s7 =	sand.u32 $0x10, s23;
	v3 =	vshrl.u32 v7, $0x3;
	v7 =	vbroadcast v14, $0x0;
	v14 =	vmov s16;
	[tilespmem:s17+$0x10800] =	vst v6;
	v6 =	vld.idx.msk [tilespmem:v5+s10+$0x0], $0xffff  }
0x4e: {  	v15 =	vmov s4;
	s4 =	sadd.s32 $0x1B, s20;
	v5 =	vmov s7;
	s17 =	sshrl.u32 s29, $0x5;
	s7 =	sadd.s32 $0x1D, s20;
	v14 =	vshrl.u32 v14, $0x3;
	[tilespmem:s6+$0x10800] =	vst v9;
	v9 =	vld.idx.msk [tilespmem:v10+s10+$0x0], $0xffff  }
0x4f: {  	v3 =	vshll.u32 v3, v1;
	s31 =	sand.u32 $0x3B, s4;
	s4 =	sand.u32 $0x18, s4;
	s16 =	sand.u32 $0x18, s21;
	v10 =	vbroadcast v13, $0x0;
	v13 =	vshll.u32 v14, v1;
	[tilespmem:s3+$0x10800] =	vst v8;
	v2 =	vld.idx.msk [tilespmem:v2+s10+$0x0], $0xffff  }
0x50: {  	s22 =	sadd.s32 $0x18, s20;
	s6 =	sshrl.u32 s31, $0x5;
	v8 =	vbroadcast v3, $0x0;
	s3 =	sor.u32 s19, s17;
	v3 =	vbroadcast v13, $0x0;
	v13 =	vmov s4  }
0x51: {  	v5 =	vshrl.u32 v5, $0x3;
	v14 =	vmov s3;
	s3 =	sand.u32 $0x38, s22;
	s4 =	sor.u32 s19, s6;
	s6 =	sand.u32 $0x3C, s21;
	v13 =	vshrl.u32 v13, $0x3;
	[tilespmem:s28+$0x10800] =	vst v12  }
0x52: {  	s17 =	sand.u32 $0x3A, s5;
	s5 =	sand.u32 $0x18, s7;
	s21 =	sadd.s32 $0x14, s20;
	v12 =	vshll.u32 v14, $0x5;
	v13 =	vshll.u32 v13, v1;
	[tilespmem:s0+$0x10800] =	vst v4  }
0x53: {  	s28 =	sshrl.u32 s17, $0x5;
	s24 =	sshrl.u32 s6, $0x5;
	v14 =	vmov s5;
	s0 =	sand.u32 $0x30, s23;
	v4 =	vshll.u32 v5, v1;
	v13 =	vbroadcast v13, $0x0;
	[tilespmem:s26+$0x10800] =	vst v11  }
0x54: {  	v5 =	vor.u32 v0, v12;
	v12 =	vshrl.u32 v14, $0x3;
	s5 =	sshrl.u32 s0, $0x5;
	s26 =	sor.u32 s19, s28;
	v11 =	vmov s4;
	s4 =	sor.u32 s19, s24;
	[tilespmem:s15+$0x10800] =	vst v9  }
0x55: {  	s22 =	sand.u32 $0x18, s22;
	v12 =	vshll.u32 v12, v1;
	s15 =	sand.u32 $0x36, s12;
	s12 =	sadd.s32 $0x19, s20;
	v9 =	vmov s26;
	v11 =	vshll.u32 v11, $0x5;
	[tilespmem:s2+$0x10800] =	vst v2  }
0x56: {  	v14 =	vshrl.u32 v15, $0x3;
	s24 =	sshrl.u32 s1, $0x5;
	s26 =	sshrl.u32 s3, $0x5;
	v15 =	vmov s4;
	s2 =	sand.u32 $0x31, s9;
	v2 =	vmov s22;
	[tilespmem:s8+$0x10800] =	vst v6  }
0x57: {  	s9 =	sand.u32 $0x34, s21;
	s4 =	sshrl.u32 s2, $0x5;
	s8 =	sshrl.u32 s15, $0x5;
	v2 =	vshrl.u32 v2, $0x3;
	v6 =	vshll.u32 v9, $0x5;
	v9 =	vmov s16  }
0x58: {  	s13 =	sor.u32 s19, s13;
	s16 =	sand.u32 $0x18, s14;
	s4 =	sor.u32 s19, s4;
	v2 =	vshll.u32 v2, v1;
	v16 =	vor.u32 v0, v6;
	v9 =	vshrl.u32 v9, $0x3  }
0x59: {  	v6 =	vmov s13;
	s8 =	sor.u32 s19, s8;
	s13 =	sand.u32 $0x39, s12;
	v18 =	vmov s16;
	v17 =	vmov s4;
	s4 =	sand.u32 $0x10, s21  }
0x5a: {  	s16 =	sor.u32 s19, s24;
	v6 =	vshll.u32 v6, $0x5;
	s21 =	sshrl.u32 s9, $0x5;
	v19 =	vmov s8;
	v2 =	vbroadcast v2, $0x0;
	s8 =	sshrl.u32 s13, $0x5  }
0x5b: {  	v20 =	vmov s16;
	v6 =	vor.u32 v0, v6;
	s16 =	sor.u32 s19, s21;
	v21 =	vmov s4;
	s4 =	sor.u32 s19, s26;
	s21 =	sor.u32 s19, s8  }
0x5c: {  	v14 =	vshll.u32 v14, v1;
	s5 =	sor.u32 s5, s19;
	s22 =	sand.u32 $0x3E, s14;
	s8 =	sand.u32 $0x1C0, s23;
	v10 =	vor.u32 v10, v6;
	v6 =	vbroadcast v12, $0x0  }
0x5d: {  	s7 =	sand.u32 $0x3D, s7;
	v9 =	vshll.u32 v9, v1;
	s14 =	sshrl.u32 s8, $0x2;
	v12 =	vbroadcast v14, $0x0;
	s8 =	sshll.u32 s31, $0x7;
	v14 =	vshrl.u32 v18, $0x3  }
0x5e: {  	v17 =	vshll.u32 v17, $0x5;
	v18 =	vshll.u32 v20, $0x5;
	v20 =	vmov s4;
	s4 =	sshrl.u32 s7, $0x5;
	s7 =	sshll.u32 s7, $0x7;
	s31 =	sor.u32 s14, s8  }
0x5f: {  	v11 =	vor.u32 v0, v11;
	v17 =	vor.u32 v0, v17;
	s8 =	sor.u32 s19, s4;
	s28 =	sor.u32 s14, s7;
	s4 =	sshll.u32 s22, $0x7;
	v12 =	vor.u32 v12, v16  }
0x60: {  	p1 =	slt.u32 s23, $0x1F0;
	v8 =	vor.u32 v8, v17;
	v16 =	vmov s5;
	s26 =	sor.u32 s14, s4;
	v12 =	vor.u32 $0x2, v12  }
0x61: {  	v17 =	vor.u32 v0, v18;
	v18 =	vshrl.u32 v21, $0x3;
	v8 =	vor.u32 $0x1, v8;
	s4 =	sadd.s32 $0x17, s20  }
0x62: {  	v11 =	vor.u32 v13, v11;
	v9 =	vbroadcast v9, $0x0;
	v7 =	vor.u32 v7, v17;
	s5 =	sand.u32 $0x37, s4  }
0x63: {  	v15 =	vshll.u32 v15, $0x5;
	v13 =	vshll.u32 v19, $0x5;
	s20 =	sadd.s32 $0x1F, s20;
	v7 =	vor.u32 $0x3, v7;
	s7 =	sshrl.u32 s5, $0x5;
	s5 =	sshll.u32 s5, $0x7  }
0x64: {  	v15 =	vor.u32 v0, v15;
	v10 =	vor.u32 $0x2, v10;
	s22 =	sshrl.u32 s22, $0x5;
	v16 =	vshll.u32 v16, $0x5;
	s24 =	sand.u32 $0x3F, s20;
	s7 =	sor.u32 s19, s7  }
0x65: {  	v19 =	vmov s21;
	s21 =	sand.u32 $0x18, s12;
	v15 =	vor.u32 v9, v15;
	s12 =	sor.u32 s19, s22;
	s22 =	sshrl.u32 s24, $0x5;
	v17 =	vmov s7;
	v12 =	vld.idx.msk [tilespmem:v12+s10+$0x0], $0xffff  }
0x66: {  	v9 =	vmov s16;
	v21 =	vmov s12;
	s12 =	sshll.u32 s24, $0x7;
	s7 =	sor.u32 s14, s5;
	s5 =	sor.u32 s19, s22;
	v17 =	vshll.u32 v17, $0x5;
	v8 =	vld.idx.msk [tilespmem:v8+s10+$0x0], $0xffff  }
0x67: {  	v22 =	vmov s18;
	v14 =	vshll.u32 v14, v1;
	s12 =	sor.u32 s14, s12;
	v23 =	vmov s5  }
0x68: {  	v22 =	vshrl.u32 v22, $0x3;
	v24 =	vmov s21;
	v23 =	vshll.u32 v23, $0x5;
	v7 =	vld.idx.msk [tilespmem:v7+s10+$0x0], $0xffff  }
0x69: {  	v14 =	vbroadcast v14, $0x0;
	s16 =	sand.u32 $0x18, s20;
	v21 =	vshll.u32 v21, $0x5;
	s5 =	sshll.u32 s17, $0x7;
	v23 =	vor.u32 v0, v23;
	v10 =	vld.idx.msk [tilespmem:v10+s10+$0x0], $0xffff  }
0x6a: {  	s2 =	sshll.u32 s2, $0x7;
	v18 =	vshll.u32 v18, v1;
	s4 =	sand.u32 $0x10, s4;
	v17 =	vor.u32 v0, v17;
	s5 =	sor.u32 s14, s5;
	v23 =	vor.u32 s16, v23  }
0x6b: {  	s2 =	sor.u32 s14, s2;
	v19 =	vshll.u32 v19, $0x5;
	v17 =	vor.u32 s4, v17;
	[tilespmem:s5+$0x10800] =	vst v12;
	v12 =	vor.u32 $0x7, v23  }
0x6c: {  	s1 =	sshll.u32 s1, $0x7;
	v19 =	vor.u32 v0, v19;
	v17 =	vor.u32 $0x7, v17;
	[tilespmem:s2+$0x10800] =	vst v8;
	v8 =	vshll.u32 v22, v1  }
0x6d: {  	v11 =	vor.u32 $0x3, v11;
	s1 =	sor.u32 s14, s1;
	v18 =	vbroadcast v18, $0x0;
	s2 =	sshll.u32 s30, $0x7;
	v8 =	vbroadcast v8, $0x0  }
0x6e: {  	v20 =	vshll.u32 v20, $0x5;
	s2 =	sor.u32 s14, s2;
	[tilespmem:s1+$0x10800] =	vst v7;
	v7 =	vshll.u32 v9, $0x5;
	v9 =	vor.u32 v0, v21  }
0x6f: {  	[tilespmem:s2+$0x10800] =	vst v10;
	v7 =	vor.u32 v0, v7;
	v5 =	vor.u32 v8, v5;
	v8 =	vshrl.u32 v24, $0x3  }
0x70: {  	v18 =	vor.u32 v18, v7;
	v21 =	vor.u32 $0x5, v5;
	v5 =	vor.u32 v14, v9;
	v14 =	vld.idx.msk [tilespmem:v12+s10+$0x0], $0xffff  }
0x71: {  	s25 =	sadd.s32 $0x8, s25;
	v9 =	vbroadcast v4, $0x0;
	v7 =	vshll.u32 v8, v1;
	v12 =	vmov s8;
	v4 =	vld.idx.msk [tilespmem:v17+s10+$0x0], $0xffff  }
.Ltmp0:
0x72: {  	s1 =	sshll.u32 s3, $0x7;
	s2 =	sshll.u32 s6, $0x7;
	v8 =	vor.u32 v0, v16;
	v16 =	vbroadcast v7, $0x0;
	v7 =	vor.u32 $0x6, v5;
	v10 =	vld.idx.msk [tilespmem:v11+s10+$0x0], $0xffff;
	(pc) =	sbr.rel @p1 .LBB2_3-.Ltmp0, $4  }
0x73: {  	s4 =	sshll.u32 s29, $0x7;
	s3 =	sshll.u32 s15, $0x7;
	s8 =	sor.u32 s14, s2;
	v12 =	vshll.u32 v12, $0x5;
	v9 =	vor.u32 v9, v8;
	v8 =	vor.u32 $0x4, v18  }
0x74: {  	s15 =	sor.u32 s14, s3;
	s2 =	sor.u32 s14, s1;
	s1 =	sshll.u32 s13, $0x7;
	v5 =	vor.u32 $0x4, v15;
	v11 =	vor.u32 v0, v20;
	v12 =	vor.u32 v0, v12  }
0x75: {  	v13 =	vor.u32 v0, v13;
	s5 =	sshll.u32 s9, $0x7;
	s3 =	sshll.u32 s0, $0x7;
	s0 =	sor.u32 s14, s1;
	v15 =	vor.u32 v16, v19;
	v12 =	vor.u32 v6, v12  }
0x76: {  	v13 =	vor.u32 v3, v13;
	s17 =	sor.u32 s14, s4;
	s6 =	sor.u32 s14, s3;
	s3 =	sor.u32 s14, s5;
	v3 =	vor.u32 $0x1, v15;
	v12 =	vor.u32 $0x5, v12;
	v6 =	vld.idx.msk [tilespmem:v21+s10+$0x0], $0xffff;
	[tilespmem:s12+$0x10800] =	vst v14  }
0x77: {  	_ =	sdelay $0x3  }
0x78: {  	v9 =	vld.idx.msk [tilespmem:v9+s10+$0x0], $0xffff  }
0x79: {  	v8 =	vld.idx.msk [tilespmem:v8+s10+$0x0], $0xffff  }
0x7a: {  	[tilespmem:s31+$0x10800] =	vst v10;
	v61 =	vld.idx.msk [tilespmem:v12+s10+$0x0], $0xffff  }
0x7b: {  	[tilespmem:s7+$0x10800] =	vst v4;
	v3 =	vld.idx.msk [tilespmem:v3+s10+$0x0], $0xffff  }
0x7c: {  	v13 =	vor.u32 $0x6, v13;
	[tilespmem:s17+$0x10800] =	vst v6  }
0x7d: {  	v2 =	vor.u32 v2, v11;
	[tilespmem:s6+$0x10800] =	vst v9  }
0x7e: {  	[tilespmem:s3+$0x10800] =	vst v8  }
0x7f: {  	v62 =	vld.idx.msk [tilespmem:v7+s10+$0x0], $0xffff;
	[tilespmem:s28+$0x10800] =	vst v61  }
0x80: {  	v5 =	vld.idx.msk [tilespmem:v5+s10+$0x0], $0xffff;
	[tilespmem:s0+$0x10800] =	vst v3  }
0x81: {  	v63 =	vld.idx.msk [tilespmem:v13+s10+$0x0], $0xffff;
	s0 =	rddreg [dreg:$0x4]  }
0x82: {  	v2 =	vld.idx.msk [tilespmem:v2+s10+$0x0], $0xffff;
	s1 =	rddreg [dreg:$0xa]  }
0x83: {  	s0 =	sadd.s32 s0, s1  }
0x84: {  	[tilespmem:s26+$0x10800] =	vst v62;
	s1 =	sshll.u32 s0, $0x7  }
0x85: {  	s28 =	rddreg [dreg:$0x1];
	[tilespmem:s8+$0x10800] =	vst v5;
	s0 =	sshll.u32 s0, $0xA;
	s1 =	sand.u32 $0x3F00, s1  }
0x86: {  	s29 =	simm.s32 $0x400;
	s0 =	sand.u32 $0xFFE0000, s0;
	[tilespmem:s15+$0x10800] =	vst v63;
	s1 =	sadd.s32 s28, s1  }
0x87: {  	s30 =	simm.s32 $0x20000;
	s31 =	simm.s32 $0x10800;
	[tilespmem:s2+$0x10800] =	vst v2;
	s0 =	sadd.s32 s0, s1  }
0x88: {  	[hbm4b:s0+s29] =	stream.strided.scatter [tilespmem:s31], [sflag:$0x3], $0x2000, s30, s29, $0x38;
	[tilespmem:$0x14800] =	vst v63  }
0x89: {  	s0 =	rddreg [dreg:$0x8]  }
0x8a: {  	p1 =	sne.s32 s0, $0x63  }
.Ltmp1:
0x8b: {  	_ = 	snop;
	(pc) =	sbr.rel @p1 .LBB2_6-.Ltmp1, $1  }
0x8c: {  	_ =	sdelay $0x3  }
.Ltmp2:
0x8d: {  	(pc) =	sbr.rel .LBB2_7-.Ltmp2, $4  }
0x8e: {  	s0 =	simm.s32 $0x2  }
0x8f: {  	_ =	swait.ge [sflag:s0], $0x2000  }
0x90: {  	[sflag:s0] =	ssyncset.done $0x0  }
0x91: {  	[sflag:s0] =	ssyncadd.s32 $0xFFFFE000  }
.LBB2_6:
0x92: {  	s0 =	sshll.u32 s0, $0x9  }
0x93: {  	s1 =	rddreg [dreg:$0x3];
	s2 =	simm.s32 $0x100;
	s0 =	sand.u32 $0x3FFFFE00, s0  }
.Ltmp3:
0x94: {  	s31 =	simm.s32 $0x2;
	s0 =	sadd.s32 $0x200, s0;
	(pc) =	sbr.rel @p0 .LBB2_8-.Ltmp3, $4  }
0x95: {  	[tilespmem:s10], [sflag:$0x1] =	stream.indirect.gather [hbm4b:s1+s2], $0x20, s0, s2, $0xb8;
	[tilespmem:$0x14800] =	vst v63  }
0x96: {  	_ =	swait.ge [sflag:s31], $0x2000  }
0x97: {  	[sflag:s31] =	ssyncset.done $0x0  }
0x98: {  	[sflag:s31] =	ssyncadd.s32 $0xFFFFE000  }
.LBB2_7:
0x99: {  	s0 =	simm.s32 $0x4  }
0x9a: {  	_ =	swait.ge [sflag:s0], $0x2000  }
0x9b: {  	[sflag:s0] =	ssyncset.done $0x0  }
0x9c: {  	[sflag:s0] =	ssyncadd.s32 $0xFFFFE000  }
.LBB2_8:
0x9d: {  	s0 =	simm.s32 $0x0;
	s2 =	simm.s32 $0x2;
	s3 =	simm.s32 $0x1  }
0x9e: {  	s4 =	simm.s32 $0x3;
	s25 =	simm.s32 $0x5;
	s28 =	simm.s32 $0xA  }
0x9f: {  	s15 =	simm.s32 $0xC;
	s17 =	simm.s32 $0xB;
	s31 =	simm.s32 $0x8  }
0xa0: {  	s23 =	simm.s32 $0x4;
	s1 =	sand.u32 $0x32, s2;
	s5 =	sand.u32 $0x10, s3  }
0xa1: {  	s12 =	sand.u32 $0x10, s2;
	s14 =	sand.u32 $0x10, s4;
	s13 =	sand.u32 $0xE0, s0  }
0xa2: {  	s29 =	sand.u32 $0x35, s25;
	s18 =	sand.u32 $0x18, s28;
	s7 =	sand.u32 $0x3B, s17  }
0xa3: {  	s21 =	sand.u32 $0x18, s17;
	s22 =	sand.u32 $0x18, s15;
	s6 =	sand.u32 $0x3A, s28  }
0xa4: {  	s20 =	sand.u32 $0x31, s3;
	s17 =	simm.s32 $0xD;
	[dreg:$0xf] =	wrdreg s1  }
0xa5: {  	s9 =	sshrl.u32 s1, $0x5;
	s1 =	sand.u32 $0x33, s4;
	s4 =	simm.s32 $0x6  }
0xa6: {  	[dreg:$0xd] =	wrdreg s29;
	s8 =	sshrl.u32 s29, $0x5;
	s19 =	sshrl.u32 s7, $0x5  }
0xa7: {  	s0 =	sshrl.u32 s6, $0x5;
	s3 =	sshrl.u32 s20, $0x5;
	v2 =	vmov s5;
	v3 =	vmov s12;
	v4 =	vmov s14;
	s14 =	sand.u32 $0x18, s17  }
0xa8: {  	v7 =	vmov s18;
	v8 =	vmov s21;
	v15 =	vmov s22;
	[dreg:$0x11] =	wrdreg s1;
	s16 =	sand.u32 $0x10, s4;
	s24 =	sor.u32 s13, s8  }
0xa9: {  	s8 =	sand.u32 $0x38, s31;
	s26 =	sor.u32 s13, s19;
	s19 =	sand.u32 $0x3C, s15;
	v10 =	vmov s14;
	v3 =	vshrl.u32 v3, $0x3;
	v4 =	vshrl.u32 v4, $0x3  }
0xaa: {  	s29 =	sor.u32 s13, s0;
	s15 =	sand.u32 $0x36, s4;
	s4 =	sand.u32 $0x18, s31;
	v2 =	vshrl.u32 v2, $0x3;
	v7 =	vshrl.u32 v7, $0x3;
	v5 =	vmov s16  }
0xab: {  	s30 =	sor.u32 s13, s3;
	s31 =	sor.u32 s13, s9;
	s9 =	sshrl.u32 s1, $0x5;
	v9 =	vmov s24;
	v11 =	vmov s26;
	v12 =	vmov s29  }
0xac: {  	s3 =	sand.u32 $0x34, s23;
	s1 =	sand.u32 $0x10, s23;
	s23 =	simm.s32 $0x0;
	v13 =	vmov s4;
	v16 =	vmov s30;
	v17 =	vmov s31  }
0xad: {  	s12 =	sand.u32 $0x10, s23;
	v21 =	vmov s1;
	v3 =	vshll.u32 v3, v1;
	v4 =	vshll.u32 v4, v1  }
0xae: {  	s9 =	sor.u32 s13, s9;
	v2 =	vshll.u32 v2, v1;
	v7 =	vshll.u32 v7, v1;
	v6 =	vmov s12  }
0xaf: {  	v20 =	vmov s9;
	v3 =	vbroadcast v3, $0x0;
	v17 =	vshll.u32 v17, $0x5  }
0xb0: {  	s28 =	sshrl.u32 s19, $0x5;
	s2 =	sshrl.u32 s15, $0x5;
	v4 =	vbroadcast v4, $0x0;
	v2 =	vbroadcast v2, $0x0;
	v12 =	vshll.u32 v12, $0x5  }
0xb1: {  	s18 =	sand.u32 $0x30, s23;
	s29 =	sshrl.u32 s3, $0x5;
	s28 =	sor.u32 s13, s28;
	v7 =	vbroadcast v7, $0x0;
	v16 =	vshll.u32 v16, $0x5;
	v5 =	vshrl.u32 v5, $0x3  }
0xb2: {  	s0 =	sor.u32 s13, s2;
	s29 =	sor.u32 s13, s29;
	s9 =	sand.u32 $0x10, s25;
	v11 =	vshll.u32 v11, $0x5;
	v53 =	vshrl.u32 v21, $0x3;
	v14 =	vmov s28  }
0xb3: {  	s12 =	sshrl.u32 s8, $0x5;
	s14 =	sshrl.u32 s18, $0x5;
	v19 =	vmov s0;
	v26 =	vmov s29;
	v28 =	vmov s9  }
0xb4: {  	s21 =	sor.u32 s13, s12;
	s4 =	sor.u32 s14, s13;
	v17 =	vor.u32 v0, v17;
	v12 =	vor.u32 v0, v12;
	v51 =	vshll.u32 v20, $0x5  }
0xb5: {  	v11 =	vor.u32 v0, v11;
	v22 =	vmov s21;
	v23 =	vmov s4  }
0xb6: {  	s12 =	simm.s32 $0xE;
	v3 =	vor.u32 v3, v17;
	v7 =	vor.u32 v7, v12;
	v12 =	vor.u32 v0, v16  }
0xb7: {  	s26 =	simm.s32 $0x7;
	s24 =	sand.u32 $0x18, s12;
	v52 =	vor.u32 v0, v51;
	v14 =	vshll.u32 v14, $0x5;
	v54 =	vshll.u32 v19, $0x5  }
0xb8: {  	s2 =	simm.s32 $0x9;
	s14 =	sand.u32 $0x37, s26;
	v16 =	vshll.u32 v53, v1;
	v18 =	vmov s24;
	v12 =	vor.u32 v2, v12  }
0xb9: {  	s5 =	sand.u32 $0x39, s2;
	s31 =	sshrl.u32 s14, $0x5;
	v4 =	vor.u32 v4, v52;
	v2 =	vshrl.u32 v8, $0x3;
	v8 =	vshrl.u32 v15, $0x3  }
0xba: {  	s16 =	sshrl.u32 s5, $0x5;
	s12 =	sand.u32 $0x3E, s12;
	s0 =	sor.u32 s13, s31;
	v7 =	vor.u32 $0x2, v7;
	v3 =	vor.u32 $0x2, v3;
	v55 =	vshll.u32 v23, $0x5  }
0xbb: {  	s22 =	simm.s32 $0xF;
	s16 =	sor.u32 s13, s16;
	s21 =	sshrl.u32 s12, $0x5;
	v16 =	vbroadcast v16, $0x0;
	v22 =	vshll.u32 v22, $0x5;
	v24 =	vmov s0  }
0xbc: {  	s24 =	sand.u32 $0x3F, s22;
	v25 =	vmov s16;
	s1 =	sor.u32 s13, s21;
	v2 =	vshll.u32 v2, v1;
	v8 =	vshll.u32 v8, v1  }
0xbd: {  	s31 =	sshrl.u32 s24, $0x5;
	s21 =	sand.u32 $0x18, s2;
	v12 =	vor.u32 $0x1, v12;
	v4 =	vor.u32 $0x3, v4;
	v27 =	vmov s1  }
0xbe: {  	s16 =	sor.u32 s13, s31;
	v30 =	vmov s21;
	v2 =	vbroadcast v2, $0x0;
	v8 =	vbroadcast v8, $0x0  }
0xbf: {  	v57 =	vshll.u32 v25, $0x5;
	v29 =	vmov s16;
	v56 =	vshll.u32 v27, $0x5  }
0xc0: {  	v20 =	vor.u32 v0, v57;
	v60 =	vshrl.u32 v30, $0x3;
	v29 =	vshll.u32 v29, $0x5  }
0xc1: {  	v11 =	vor.u32 v2, v11;
	v2 =	vshll.u32 v5, v1;
	v5 =	vor.u32 v0, v14  }
0xc2: {  	v19 =	vor.u32 v0, v56;
	v29 =	vor.u32 v0, v29;
	v5 =	vor.u32 v8, v5  }
0xc3: {  	s22 =	sand.u32 $0x18, s22;
	v14 =	vbroadcast v2, $0x0;
	v2 =	vshrl.u32 v6, $0x3;
	v6 =	vshll.u32 v9, $0x5  }
0xc4: {  	v59 =	vor.u32 $0x3, v11;
	v11 =	vshll.u32 v26, $0x5;
	v29 =	vor.u32 s22, v29  }
0xc5: {  	s6 =	sshll.u32 s6, $0x7;
	s3 =	sshll.u32 s3, $0x7;
	s25 =	sand.u32 $0x3D, s17;
	v8 =	vshll.u32 v2, v1;
	v2 =	vshrl.u32 v10, $0x3;
	v6 =	vor.u32 v0, v6  }
0xc6: {  	s26 =	sand.u32 $0x10, s26;
	s28 =	sshrl.u32 s25, $0x5;
	s29 =	sand.u32 $0x1C0, s23;
	v10 =	vshll.u32 v24, $0x5;
	v11 =	vor.u32 v0, v11;
	v9 =	vshll.u32 v2, v1  }
0xc7: {  	s9 =	sshll.u32 s20, $0x7;
	s0 =	sshll.u32 s25, $0x7;
	s2 =	sshll.u32 s14, $0x7;
	v2 =	vshrl.u32 v13, $0x3;
	v13 =	vshrl.u32 v28, $0x3;
	v10 =	vor.u32 v0, v10  }
0xc8: {  	s4 =	sshll.u32 s24, $0x7;
	s14 =	rddreg [dreg:$0xf];
	s24 =	sshll.u32 s15, $0x7;
	v7 =	vld.idx.msk [tilespmem:v7+s11+$0x0], $0xffff;
	v58 =	vor.u32 $0x7, v29;
	v13 =	vshll.u32 v13, v1;
	v10 =	vor.u32 s26, v10  }
0xc9: {  	s1 =	sor.u32 s13, s28;
	s13 =	sshrl.u32 s29, $0x2;
	s31 =	sshll.u32 s7, $0x7;
	v12 =	vld.idx.msk [tilespmem:v12+s11+$0x0], $0xffff;
	v15 =	vbroadcast v9, $0x0;
	v9 =	vshrl.u32 v18, $0x3;
	v13 =	vbroadcast v13, $0x0  }
0xca: {  	s21 =	sshll.u32 s8, $0x7;
	s29 =	sshll.u32 s5, $0x7;
	s30 =	sor.u32 s13, s31;
	v4 =	vld.idx.msk [tilespmem:v4+s11+$0x0], $0xffff;
	v5 =	vor.u32 $0x4, v5;
	v9 =	vshll.u32 v9, v1;
	v10 =	vor.u32 $0x7, v10  }
0xcb: {  	s7 =	sor.u32 s13, s2;
	s16 =	sor.u32 s13, s9;
	v3 =	vld.idx.msk [tilespmem:v3+s11+$0x0], $0xffff;
	v11 =	vor.u32 v16, v11;
	s26 =	sor.u32 s13, s0;
	v9 =	vbroadcast v9, $0x0;
	v6 =	vor.u32 v13, v6  }
0xcc: {  	v2 =	vshll.u32 v2, v1;
	s0 =	sor.u32 s13, s6;
	v13 =	vmov s1;
	s1 =	sshll.u32 s12, $0x7;
	s12 =	rddreg [dreg:$0x11];
	v6 =	vor.u32 $0x5, v6  }
0xcd: {  	[tilespmem:s0+$0x12800] =	vst v7;
	s25 =	sor.u32 s13, s1;
	s1 =	sor.u32 s13, s4;
	s4 =	sshll.u32 s12, $0x7;
	v7 =	vor.u32 v9, v19;
	v61 =	vld.idx.msk [tilespmem:v58+s11+$0x0], $0xffff;
	v9 =	vbroadcast v8, $0x0;
	v8 =	vshll.u32 v60, v1  }
0xce: {  	s15 =	sor.u32 s13, s24;
	s6 =	sshll.u32 s14, $0x7;
	v2 =	vbroadcast v2, $0x0;
	[tilespmem:s16+$0x12800] =	vst v12;
	v12 =	vor.u32 v0, v55;
	s17 =	sor.u32 s13, s4;
	v62 =	vbroadcast v8, $0x0  }
0xcf: {  	s31 =	sshll.u32 s18, $0x7;
	s3 =	sor.u32 s13, s3;
	s20 =	sor.u32 s13, s6;
	v8 =	vor.u32 $0x6, v7;
	[tilespmem:s17+$0x12800] =	vst v4;
	v9 =	vor.u32 v9, v12;
	v12 =	vshll.u32 v13, $0x5;
	v4 =	vld.idx.msk [tilespmem:v10+s11+$0x0], $0xffff  }
0xd0: {  	s24 =	simm.s32 $0x8;
	s22 =	sshll.u32 s19, $0x7;
	v7 =	vor.u32 $0x4, v11;
	v11 =	vor.u32 v0, v22;
	v10 =	vld.idx.msk [tilespmem:v59+s11+$0x0], $0xffff;
	s2 =	rddreg [dreg:$0xd];
	[tilespmem:s20+$0x12800] =	vst v3;
	v3 =	vor.u32 v0, v12  }
0xd1: {  	s19 =	sor.u32 s13, s22;
	s6 =	sor.u32 s13, s31;
	v12 =	vor.u32 v0, v54;
	v63 =	vor.u32 v62, v20;
	s28 =	sshll.u32 s2, $0x7;
	v15 =	vor.u32 v15, v3  }
0xd2: {  	s0 =	sor.u32 s13, s29;
	s2 =	sor.u32 s13, s21;
	v13 =	vor.u32 v14, v12;
	v3 =	vor.u32 $0x1, v63;
	s17 =	sor.u32 s13, s28;
	[tilespmem:s1+$0x12800] =	vst v61;
	v6 =	vld.idx.msk [tilespmem:v6+s11+$0x0], $0xffff;
	v12 =	vor.u32 $0x5, v15  }
.LBB2_9:
0xd3: {  	s9 =	sadd.s32 $0x11, s23  }
0xd4: {  	s1 =	sadd.s32 $0x12, s23;
	s4 =	sadd.s32 $0x13, s23;
	v2 =	vor.u32 v2, v11;
	v8 =	vld.idx.msk [tilespmem:v8+s11+$0x0], $0xffff;
	s20 =	smov.u32 s23  }
0xd5: {  	s14 =	sadd.s32 $0x1E, s23;
	s5 =	sand.u32 $0x10, s9;
	s29 =	sand.u32 $0x32, s1;
	v9 =	vld.idx.msk [tilespmem:v9+s11+$0x0], $0xffff;
	[tilespmem:s30+$0x12800] =	vst v10  }
0xd6: {  	v13 =	vor.u32 $0x6, v13;
	s1 =	sand.u32 $0x10, s1;
	v10 =	vmov s5;
	s13 =	sshrl.u32 s29, $0x5;
	s5 =	sand.u32 $0x10, s4;
	v11 =	vld.idx.msk [tilespmem:v7+s11+$0x0], $0xffff  }
0xd7: {  	s12 =	sadd.s32 $0x16, s23;
	v7 =	vmov s1;
	s1 =	sand.u32 $0x33, s4;
	s4 =	sadd.s32 $0x15, s23;
	v14 =	vmov s5  }
0xd8: {  	s8 =	sand.u32 $0xE0, s24;
	s21 =	sadd.s32 $0x1C, s23;
	v7 =	vshrl.u32 v7, $0x3;
	s5 =	sadd.s32 $0x1A, s23;
	v14 =	vshrl.u32 v14, $0x3;
	v12 =	vld.idx.msk [tilespmem:v12+s11+$0x0], $0xffff  }
0xd9: {  	s16 =	sand.u32 $0x10, s12;
	s23 =	sadd.s32 $0x10, s23;
	s18 =	sand.u32 $0x10, s4;
	v15 =	vshll.u32 v7, v1;
	v7 =	vshll.u32 v14, v1;
	[tilespmem:s7+$0x12800] =	vst v4;
	v4 =	vld.idx.msk [tilespmem:v3+s11+$0x0], $0xffff  }
0xda: {  	s28 =	sand.u32 $0x35, s4;
	s4 =	sand.u32 $0x18, s5;
	s7 =	sand.u32 $0x10, s23;
	v3 =	vshrl.u32 v10, $0x3;
	v10 =	vmov s16;
	v7 =	vbroadcast v7, $0x0;
	[tilespmem:s17+$0x12800] =	vst v6;
	v6 =	vld.idx.msk [tilespmem:v5+s11+$0x0], $0xffff  }
0xdb: {  	v14 =	vmov s4;
	s4 =	sadd.s32 $0x1B, s20;
	v5 =	vmov s7;
	s17 =	sshrl.u32 s28, $0x5;
	v10 =	vshrl.u32 v10, $0x3;
	s7 =	sadd.s32 $0x1D, s20;
	[tilespmem:s6+$0x12800] =	vst v9;
	v9 =	vld.idx.msk [tilespmem:v13+s11+$0x0], $0xffff  }
0xdc: {  	s16 =	sand.u32 $0x18, s21;
	v3 =	vshll.u32 v3, v1;
	s30 =	sand.u32 $0x3B, s4;
	s4 =	sand.u32 $0x18, s4;
	v13 =	vbroadcast v15, $0x0;
	v10 =	vshll.u32 v10, v1;
	[tilespmem:s3+$0x12800] =	vst v11;
	v2 =	vld.idx.msk [tilespmem:v2+s11+$0x0], $0xffff  }
0xdd: {  	s22 =	sadd.s32 $0x18, s20;
	s6 =	sshrl.u32 s30, $0x5;
	v11 =	vbroadcast v3, $0x0;
	s3 =	sor.u32 s8, s17;
	v3 =	vbroadcast v10, $0x0;
	v10 =	vmov s4  }
0xde: {  	v5 =	vshrl.u32 v5, $0x3;
	s4 =	sor.u32 s8, s6;
	s6 =	sand.u32 $0x3C, s21;
	v15 =	vmov s3;
	s3 =	sand.u32 $0x38, s22;
	v10 =	vshrl.u32 v10, $0x3;
	[tilespmem:s26+$0x12800] =	vst v12  }
0xdf: {  	s21 =	sadd.s32 $0x14, s20;
	s17 =	sand.u32 $0x3A, s5;
	s5 =	sand.u32 $0x18, s7;
	v12 =	vshll.u32 v15, $0x5;
	v10 =	vshll.u32 v10, v1;
	[tilespmem:s0+$0x12800] =	vst v4  }
0xe0: {  	s31 =	sshrl.u32 s6, $0x5;
	s26 =	sshrl.u32 s17, $0x5;
	v15 =	vmov s5;
	s0 =	sand.u32 $0x30, s23;
	v4 =	vshll.u32 v5, v1;
	v10 =	vbroadcast v10, $0x0;
	[tilespmem:s25+$0x12800] =	vst v8  }
0xe1: {  	v5 =	vor.u32 v0, v12;
	v12 =	vshrl.u32 v15, $0x3;
	s5 =	sshrl.u32 s0, $0x5;
	s25 =	sor.u32 s8, s26;
	v8 =	vmov s4;
	s4 =	sor.u32 s8, s31;
	[tilespmem:s15+$0x12800] =	vst v9  }
0xe2: {  	s22 =	sand.u32 $0x18, s22;
	v12 =	vshll.u32 v12, v1;
	s15 =	sand.u32 $0x36, s12;
	s12 =	sadd.s32 $0x19, s20;
	v9 =	vmov s25;
	v8 =	vshll.u32 v8, $0x5;
	[tilespmem:s2+$0x12800] =	vst v2  }
0xe3: {  	v14 =	vshrl.u32 v14, $0x3;
	s26 =	sshrl.u32 s3, $0x5;
	s25 =	sshrl.u32 s1, $0x5;
	v15 =	vmov s4;
	s2 =	sand.u32 $0x31, s9;
	v2 =	vmov s22;
	[tilespmem:s19+$0x12800] =	vst v6  }
0xe4: {  	s9 =	sand.u32 $0x34, s21;
	s4 =	sshrl.u32 s2, $0x5;
	s19 =	sshrl.u32 s15, $0x5;
	v2 =	vshrl.u32 v2, $0x3;
	v6 =	vshll.u32 v9, $0x5;
	v9 =	vmov s16  }
0xe5: {  	s13 =	sor.u32 s8, s13;
	s16 =	sand.u32 $0x18, s14;
	s4 =	sor.u32 s8, s4;
	v2 =	vshll.u32 v2, v1;
	v16 =	vor.u32 v0, v6;
	v9 =	vshrl.u32 v9, $0x3  }
0xe6: {  	v6 =	vmov s13;
	s19 =	sor.u32 s8, s19;
	s13 =	sand.u32 $0x39, s12;
	v18 =	vmov s16;
	v17 =	vmov s4;
	s4 =	sand.u32 $0x10, s21  }
0xe7: {  	s16 =	sor.u32 s8, s25;
	v6 =	vshll.u32 v6, $0x5;
	s21 =	sshrl.u32 s9, $0x5;
	v19 =	vmov s19;
	v2 =	vbroadcast v2, $0x0;
	s19 =	sshrl.u32 s13, $0x5  }
0xe8: {  	v20 =	vmov s16;
	v6 =	vor.u32 v0, v6;
	s16 =	sor.u32 s8, s21;
	v21 =	vmov s4;
	s4 =	sor.u32 s8, s26;
	s21 =	sor.u32 s8, s19  }
0xe9: {  	v14 =	vshll.u32 v14, v1;
	s5 =	sor.u32 s5, s8;
	s22 =	sand.u32 $0x3E, s14;
	s19 =	sand.u32 $0x1C0, s23;
	v13 =	vor.u32 v13, v6;
	v6 =	vbroadcast v12, $0x0  }
0xea: {  	s7 =	sand.u32 $0x3D, s7;
	v9 =	vshll.u32 v9, v1;
	s14 =	sshrl.u32 s19, $0x2;
	v12 =	vbroadcast v14, $0x0;
	s19 =	sshll.u32 s30, $0x7;
	v14 =	vshrl.u32 v18, $0x3  }
0xeb: {  	v17 =	vshll.u32 v17, $0x5;
	v18 =	vshll.u32 v20, $0x5;
	v20 =	vmov s4;
	s4 =	sshrl.u32 s7, $0x5;
	s7 =	sshll.u32 s7, $0x7;
	s30 =	sor.u32 s14, s19  }
0xec: {  	v8 =	vor.u32 v0, v8;
	v17 =	vor.u32 v0, v17;
	s19 =	sor.u32 s8, s4;
	s26 =	sor.u32 s14, s7;
	s4 =	sshll.u32 s22, $0x7;
	v12 =	vor.u32 v12, v16  }
0xed: {  	p0 =	slt.u32 s23, $0x1F0;
	v11 =	vor.u32 v11, v17;
	v16 =	vmov s5;
	s25 =	sor.u32 s14, s4;
	v12 =	vor.u32 $0x2, v12  }
0xee: {  	v17 =	vor.u32 v0, v18;
	v18 =	vshrl.u32 v21, $0x3;
	v11 =	vor.u32 $0x1, v11;
	s4 =	sadd.s32 $0x17, s20  }
0xef: {  	v8 =	vor.u32 v10, v8;
	v9 =	vbroadcast v9, $0x0;
	v7 =	vor.u32 v7, v17;
	s5 =	sand.u32 $0x37, s4  }
0xf0: {  	v10 =	vshll.u32 v15, $0x5;
	v17 =	vshll.u32 v19, $0x5;
	s20 =	sadd.s32 $0x1F, s20;
	v7 =	vor.u32 $0x3, v7;
	s7 =	sshrl.u32 s5, $0x5;
	s5 =	sshll.u32 s5, $0x7  }
0xf1: {  	v10 =	vor.u32 v0, v10;
	v13 =	vor.u32 $0x2, v13;
	s22 =	sshrl.u32 s22, $0x5;
	v15 =	vshll.u32 v16, $0x5;
	s31 =	sand.u32 $0x3F, s20;
	s7 =	sor.u32 s8, s7  }
0xf2: {  	s12 =	sand.u32 $0x18, s12;
	v21 =	vor.u32 v9, v10;
	v19 =	vmov s21;
	s21 =	sor.u32 s8, s22;
	s22 =	sshrl.u32 s31, $0x5;
	v16 =	vmov s7;
	v12 =	vld.idx.msk [tilespmem:v12+s11+$0x0], $0xffff  }
0xf3: {  	v10 =	vmov s16;
	s7 =	sor.u32 s14, s5;
	s5 =	sor.u32 s8, s22;
	s8 =	sshll.u32 s31, $0x7;
	v9 =	vld.idx.msk [tilespmem:v11+s11+$0x0], $0xffff;
	v11 =	vshll.u32 v16, $0x5;
	v16 =	vmov s21  }
0xf4: {  	v22 =	vmov s18;
	v14 =	vshll.u32 v14, v1;
	v23 =	vmov s5;
	s8 =	sor.u32 s14, s8  }
0xf5: {  	v22 =	vshrl.u32 v22, $0x3;
	v24 =	vmov s12;
	v23 =	vshll.u32 v23, $0x5;
	v7 =	vld.idx.msk [tilespmem:v7+s11+$0x0], $0xffff  }
0xf6: {  	v14 =	vbroadcast v14, $0x0;
	s12 =	sand.u32 $0x18, s20;
	s5 =	sshll.u32 s17, $0x7;
	v23 =	vor.u32 v0, v23;
	v16 =	vshll.u32 v16, $0x5;
	v13 =	vld.idx.msk [tilespmem:v13+s11+$0x0], $0xffff  }
0xf7: {  	s2 =	sshll.u32 s2, $0x7;
	v18 =	vshll.u32 v18, v1;
	s4 =	sand.u32 $0x10, s4;
	s5 =	sor.u32 s14, s5;
	v23 =	vor.u32 s12, v23;
	v11 =	vor.u32 v0, v11  }
0xf8: {  	s2 =	sor.u32 s14, s2;
	v19 =	vshll.u32 v19, $0x5;
	v11 =	vor.u32 s4, v11;
	[tilespmem:s5+$0x12800] =	vst v12;
	v12 =	vor.u32 $0x7, v23  }
0xf9: {  	s1 =	sshll.u32 s1, $0x7;
	v19 =	vor.u32 v0, v19;
	v11 =	vor.u32 $0x7, v11;
	[tilespmem:s2+$0x12800] =	vst v9;
	v9 =	vshll.u32 v22, v1  }
0xfa: {  	v8 =	vor.u32 $0x3, v8;
	s1 =	sor.u32 s14, s1;
	v18 =	vbroadcast v18, $0x0;
	s2 =	sshll.u32 s29, $0x7;
	v9 =	vbroadcast v9, $0x0  }
0xfb: {  	v20 =	vshll.u32 v20, $0x5;
	s2 =	sor.u32 s14, s2;
	[tilespmem:s1+$0x12800] =	vst v7;
	v7 =	vshll.u32 v10, $0x5;
	v10 =	vor.u32 v0, v16  }
0xfc: {  	[tilespmem:s2+$0x12800] =	vst v13;
	v7 =	vor.u32 v0, v7;
	v5 =	vor.u32 v9, v5;
	v9 =	vshrl.u32 v24, $0x3  }
0xfd: {  	v7 =	vor.u32 v18, v7;
	v13 =	vor.u32 $0x5, v5;
	v5 =	vor.u32 v14, v10;
	v14 =	vld.idx.msk [tilespmem:v12+s11+$0x0], $0xffff  }
0xfe: {  	s24 =	sadd.s32 $0x8, s24;
	v12 =	vbroadcast v4, $0x0;
	v9 =	vshll.u32 v9, v1;
	v4 =	vld.idx.msk [tilespmem:v11+s11+$0x0], $0xffff;
	v11 =	vmov s19  }
.Ltmp4:
0xff: {  	v15 =	vor.u32 v0, v15;
	s1 =	sshll.u32 s3, $0x7;
	s2 =	sshll.u32 s6, $0x7;
	v16 =	vbroadcast v9, $0x0;
	v10 =	vld.idx.msk [tilespmem:v8+s11+$0x0], $0xffff;
	v8 =	vor.u32 $0x6, v5;
	(pc) =	sbr.rel @p0 .LBB2_9-.Ltmp4, $4  }
0x100: {  	s4 =	sshll.u32 s28, $0x7;
	s3 =	sshll.u32 s15, $0x7;
	v7 =	vor.u32 $0x4, v7;
	s19 =	sor.u32 s14, s2;
	v9 =	vor.u32 v12, v15;
	v12 =	vshll.u32 v11, $0x5  }
0x101: {  	s15 =	sor.u32 s14, s3;
	s2 =	sor.u32 s14, s1;
	s1 =	sshll.u32 s13, $0x7;
	v11 =	vor.u32 v0, v20;
	v5 =	vor.u32 $0x4, v21;
	v12 =	vor.u32 v0, v12  }
0x102: {  	s5 =	sshll.u32 s9, $0x7;
	s3 =	sshll.u32 s0, $0x7;
	v15 =	vor.u32 v0, v17;
	s0 =	sor.u32 s14, s1;
	v16 =	vor.u32 v16, v19;
	v12 =	vor.u32 v6, v12  }
0x103: {  	s17 =	sor.u32 s14, s4;
	s6 =	sor.u32 s14, s3;
	s3 =	sor.u32 s14, s5;
	v12 =	vor.u32 $0x5, v12;
	v6 =	vld.idx.msk [tilespmem:v13+s11+$0x0], $0xffff;
	v13 =	vor.u32 v3, v15;
	v3 =	vor.u32 $0x1, v16;
	[tilespmem:s8+$0x12800] =	vst v14  }
0x104: {  	_ =	sdelay $0x3  }
0x105: {  	v9 =	vld.idx.msk [tilespmem:v9+s11+$0x0], $0xffff  }
0x106: {  	v7 =	vld.idx.msk [tilespmem:v7+s11+$0x0], $0xffff  }
0x107: {  	[tilespmem:s30+$0x12800] =	vst v10;
	v61 =	vld.idx.msk [tilespmem:v12+s11+$0x0], $0xffff  }
0x108: {  	v13 =	vor.u32 $0x6, v13;
	[tilespmem:s7+$0x12800] =	vst v4;
	v3 =	vld.idx.msk [tilespmem:v3+s11+$0x0], $0xffff  }
0x109: {  	v2 =	vor.u32 v2, v11;
	[tilespmem:s17+$0x12800] =	vst v6  }
0x10a: {  	[tilespmem:s6+$0x12800] =	vst v9  }
0x10b: {  	v62 =	vld.idx.msk [tilespmem:v8+s11+$0x0], $0xffff;
	[tilespmem:s3+$0x12800] =	vst v7  }
0x10c: {  	v5 =	vld.idx.msk [tilespmem:v5+s11+$0x0], $0xffff;
	[tilespmem:s26+$0x12800] =	vst v61  }
0x10d: {  	v63 =	vld.idx.msk [tilespmem:v13+s11+$0x0], $0xffff;
	[tilespmem:s0+$0x12800] =	vst v3  }
0x10e: {  	v2 =	vld.idx.msk [tilespmem:v2+s11+$0x0], $0xffff;
	s0 =	rddreg [dreg:$0x4]  }
0x10f: {  	s1 =	rddreg [dreg:$0x9]  }
0x110: {  	[tilespmem:s25+$0x12800] =	vst v62;
	s0 =	sadd.s32 s0, s1  }
0x111: {  	s28 =	simm.s32 $0x400;
	[tilespmem:s19+$0x12800] =	vst v5;
	s1 =	sshll.u32 s0, $0x7  }
0x112: {  	s26 =	rddreg [dreg:$0x1];
	s0 =	sshll.u32 s0, $0xA;
	s1 =	sand.u32 $0x3F80, s1;
	[tilespmem:s15+$0x12800] =	vst v63  }
0x113: {  	s29 =	simm.s32 $0x20000;
	s0 =	sand.u32 $0xFFE0000, s0;
	[tilespmem:s2+$0x12800] =	vst v2;
	s1 =	sadd.s32 s26, s1  }
0x114: {  	s30 =	simm.s32 $0x12800;
	s0 =	sadd.s32 s0, s1;
	s31 =	rddreg [dreg:$0x8]  }
0x115: {  	[hbm4b:s0+s28] =	stream.strided.scatter [tilespmem:s30], [sflag:$0x4], $0x2000, s29, s28, $0x38;
	[tilespmem:$0x14800] =	vst v63  }
0x116: {  	s0 =	sadd.s32 $0x1, s31  }
0x117: {  	p0 =	sne.s32 s0, $0x64  }
.Ltmp5:
0x118: {  	_ = 	snop;
	(pc) =	sbr.rel @p0 .LBB2_2-.Ltmp5, $1  }
0x119: {  	_ =	sdelay $0x3  }
0x11a: {  	s0 =	simm.s32 $0x3  }
0x11b: {  	_ =	swait.ge [sflag:s0], $0x2000  }
0x11c: {  	[sflag:s0] =	ssyncset.done $0x0  }
0x11d: {  	s1 =	simm.s32 $0x4;
	[sflag:s0] =	ssyncadd.s32 $0xFFFFE000  }
0x11e: {  	_ =	swait.ge [sflag:s1], $0x2000  }
0x11f: {  	s2 =	rddreg [dreg:$0x7]  }
0x120: {  	s31 =	rddreg [dreg:$0x6];
	s2 =	sadd.s32 $0x1, s2  }
0x121: {  	p0 =	sne.s32 s2, s31  }
.Ltmp6:
0x122: {  	_ = 	snop;
	(pc) =	sbr.rel @p0 .LBB2_1-.Ltmp6, $3  }
0x123: {  	_ =	sdelay $0x1  }
0x124: {  	[sflag:s1] =	ssyncset.done $0x0  }
0x125: {  	[sflag:s1] =	ssyncadd.s32 $0xFFFFE000  }
0x126: {  	_ =	sfence.sel $0x180000  }
0x127: {  	[bflag:$0x0] =	sbarrier.arrive $0xFFFF  }
0x128: {  	_ =	strace $0x90000047  }
0x129: {  	s0 =	stileid.u32;
	[bflag:$0x2] =	sbarrier.arrive $0xFFFF  }
0x12a: {  	p0 =	sne.s32 s0, $0x0;
	s0 =	rddreg [dreg:$0x2]  }
0x12b: {  	s0 =	sadd.s32 @!p0 $0x100000, s0  }
0x12c: {  	[sflag:s0] =	ssyncadd.tile.s32 @!p0 $0x1;
	_ =	shalt  }
.Lfunc_end2:
_tile_overlayer_lowered:
.L_overlay_start_2:
0x12d: {  	(tag) =	ssettag $0x2  }
0x12e: {  	s0 =	rddreg [dreg:$0x0];
	s2 =	stileid.u32  }
0x12f: {  	s1 =	rddreg [dreg:$0x1];
	p0 =	sne.s32 s2, $0x0  }
0x130: {  	s3 =	rddreg [dreg:$0x2];
	[bflag:$0x3] =	sbarrier.arrive $0xFFFF;
	s2 =	simm.s32 @!p0 $0x1C05  }
0x131: {  	[timem:s3], [sflag:s2] =	dma.local @!p0 [hbm:s0], s1  }
0x132: {  	s0 =	simm.s32 @!p0 $0x5  }
0x133: {  	_ =	swait.ge @!p0 [sflag:s0], s1  }
0x134: {  	s1 =	ssub.s32 @!p0 $0x0, s1;
	[sflag:s0] =	ssyncset.done @!p0 $0x0  }
0x135: {  	[sflag:s0] =	ssyncadd.s32 @!p0 s1  }
0x136: {  	[bflag:$0x3] =	sbarrier.arrive $0xFFFF  }
0x137: {  	_ =	shalt  }

</sc_bundles>
